<compile_context>
chip_gen: v7x
topology: tpu7x:2x2x1
jax: 0.10.2.dev20260603
libtpu: 0.0.44.dev20260713+nightly
codegen_flags: <defaults>
</compile_context>

<pallas_src>
import jax
import jax.numpy as jnp
from jax import lax
from jax.experimental import pallas as pl
from jax.experimental.pallas import tpu as pltpu
from jax.experimental.pallas import tpu_sc as plsc

M = 524288
D = 64
B = 65536

NC = 2
NS = 16
L = 16

M2 = M // 2
SLAB_P = 8192
STRIPE_P = SLAB_P // NS
HALF_P = M2 // NC
NSLAB = HALF_P // SLAB_P
SHARE = B // NS
CH = 64


def _body(mem_hbm, val_hbm, idx_hbm, out_hbm,
          shared, idx_v, mb_v, ml_v, rows_v, sem):
    c = lax.axis_index("c")
    s = lax.axis_index("s")
    share_base = s * SHARE
    half_base = c * HALF_P
    lane = lax.broadcasted_iota(jnp.int32, (L,), 0)

    pltpu.sync_copy(idx_hbm.at[pl.ds(share_base, SHARE)], idx_v)

    def slab_body(si, carry):
        base = half_base + si * SLAB_P
        pltpu.sync_copy(mem_hbm.at[pl.ds(base + s * STRIPE_P, STRIPE_P)],
                        shared.at[pl.ds(s * STRIPE_P, STRIPE_P)])
        plsc.subcore_barrier()

        def scan_body(i, cnt):
            iv = idx_v[pl.ds(i * L, L)]
            pv = iv >> 1
            m = (pv >= base) & (pv < base + SLAB_P)
            cum = plsc.cumsum(jnp.where(m, 1, 0).astype(jnp.int32))
            pos = cnt + cum - 1
            bv = share_base + i * L + lane
            plsc.store_scatter(mb_v, [pos >> 6, pos & 63],
                               (bv << 1) | (iv & 1), mask=m)
            plsc.store_scatter(ml_v, [pos >> 6, pos & 63], pv - base,
                               mask=m)
            return cnt + plsc.all_reduce_population_count(m)[0]

        cnt = lax.fori_loop(0, SHARE // L, scan_body, jnp.int32(0))

        padt = jnp.full((L,), SLAB_P, jnp.int32) + s
        padb = jnp.zeros((L,), jnp.int32)
        for k in range(CH // L):
            p = cnt + k * L + lane
            plsc.store_scatter(mb_v, [p >> 6, p & 63], padb)
            plsc.store_scatter(ml_v, [p >> 6, p & 63], padt)

        def chunk_body(j, carry2):
            pltpu.async_copy(val_hbm.at[mb_v.at[j]], rows_v, sem).wait()
            pltpu.sync_copy(rows_v, shared.at[ml_v.at[j]], add=True)
            return carry2

        nch = (cnt + (CH - 1)) >> 6
        lax.fori_loop(0, nch, chunk_body, jnp.int32(0))
        plsc.subcore_barrier()

        pltpu.sync_copy(shared.at[pl.ds(s * STRIPE_P, STRIPE_P)],
                        out_hbm.at[pl.ds(base + s * STRIPE_P, STRIPE_P)])
        plsc.subcore_barrier()
        return carry

    lax.fori_loop(0, NSLAB, slab_body, jnp.int32(0))


_sc_scatter_add = pl.kernel(
    _body,
    out_type=jax.ShapeDtypeStruct((M2, 128), jnp.float32),
    mesh=plsc.VectorSubcoreMesh(core_axis_name="c", subcore_axis_name="s"),
    compiler_params=pltpu.CompilerParams(needs_layout_passes=False),
    scratch_types=[
        pltpu.VMEM_SHARED((SLAB_P + NS, 128), jnp.float32),
        pltpu.VMEM((SHARE,), jnp.int32),
        pltpu.VMEM(((SHARE + CH) // CH, CH), jnp.int32),
        pltpu.VMEM(((SHARE + CH) // CH, CH), jnp.int32),
        pltpu.VMEM((CH, 128), jnp.float32),
        pltpu.SemaphoreType.DMA,
    ],
)


def kernel(mem, val, idx):
    mem_p = mem.reshape(M2, 128)
    zeros = jnp.zeros_like(val)
    val_lr = jnp.stack(
        [jnp.concatenate([val, zeros], axis=1),
         jnp.concatenate([zeros, val], axis=1)], axis=1,
    ).reshape(2 * B, 128)
    out_p = _sc_scatter_add(mem_p, val_lr, idx)
    return out_p.reshape(M, D)

# --- scband reference (transcript-rebuilt; emitter-appended) ---
"""Pipeline reference for scband-teacher-forcer-31310311587994 (READ-ONLY COPY).

The authoritative reference and input builder live on the scoring server;
editing this copy changes nothing except your own understanding.
"""

import jax, jax.numpy as jnp
import numpy as np

M = 524288
D = 64
B = 65536

def setup_inputs(seed: int = 0) -> dict:
    key = jax.random.key(seed)
    k1, k2, k3 = jax.random.split(key, 3)
    mem = jax.random.normal(k1, (M, D), dtype=jnp.float32)
    val = jax.random.normal(k2, (B, D), dtype=jnp.float32)
    idx = jax.random.randint(k3, (B,), 0, M, dtype=jnp.int32)
    return {"mem": mem, "val": val, "idx": idx}

def reference(mem, val, idx):
    # Core scatter-memory semantics of TeacherForcer's autoregressive state
    # updates: per-step node-state (valency/closed/adjacency style) buffers are
    # updated at dynamically chosen row indices, then read back.
    updated = mem.at[idx].add(val)
    read = jnp.take(updated, idx, axis=0)
    return updated + 0.0 * jnp.sum(read) / (M * D)

if __name__ == "__main__":
    import jax
    _d = setup_inputs()
    print(jax.jit(kernel)(*tuple(_d.values())))

</pallas_src>

<mosaic_0001>
#map = affine_map<(d0, d1) -> (0, 0)>
#map1 = affine_map<(d0, d1) -> (0)>
module attributes {stable_mosaic.version = 14 : i64} {
  func.func @_body(%arg0: i32, %arg1: i32, %arg2: memref<262144x128xf32, #tpu.memory_space<hbm>>, %arg3: memref<131072x128xf32, #tpu.memory_space<hbm>>, %arg4: memref<65536xi32, #tpu.memory_space<hbm>>, %arg5: memref<262144x128xf32, #tpu.memory_space<hbm>>, %arg6: memref<8208x128xf32, #tpu.memory_space<vmem_shared>>, %arg7: memref<4096xi32, #tpu.memory_space<vmem>>, %arg8: memref<65x64xi32, #tpu.memory_space<vmem>>, %arg9: memref<65x64xi32, #tpu.memory_space<vmem>>, %arg10: memref<64x128xf32, #tpu.memory_space<vmem>>, %arg11: memref<!tpu.dma_semaphore, #tpu.memory_space<semaphore_mem>>) attributes {dimension_semantics = [#tpu.dimension_semantics<core_parallel>, #tpu.dimension_semantics<subcore_parallel>], iteration_bounds = array<i64: 2, 16>, scalar_prefetch = 0 : i64, scratch_operands = 6 : i64, tpu.core_type = #tpu.core_type<sc_vector_subcore>, window_params = [{transform_indices = #map}, {transform_indices = #map}, {transform_indices = #map1}, {transform_indices = #map}]} {
    %mul3A = arith.constant 4096 : i32
    %mul3A_0 = arith.muli %arg1, %mul3A : i32
    %mul3A_1 = arith.constant 131072 : i32
    %mul3A_2 = arith.muli %arg0, %mul3A_1 : i32
    %iota3A = tpu.iota {dimensions = array<i32: 0>} : vector<16xi32>
    "tpu.region"() ({
      %run_scoped3A = tpu.sem_alloc : memref<!tpu.dma_semaphore, #tpu.memory_space<semaphore_mem>>
      %dma_start3A = tpu.memref_slice %arg4[%mul3A_0] : memref<65536xi32, #tpu.memory_space<hbm>> -> memref<4096xi32, #tpu.memory_space<hbm>>
      %dma_start3A_8 = tpu.memref_slice %arg4[%mul3A_0] : memref<65536xi32, #tpu.memory_space<hbm>> -> memref<4096xi32, #tpu.memory_space<hbm>>
      tpu.enqueue_dma source(%dma_start3A_8 : memref<4096xi32, #tpu.memory_space<hbm>>) target(%arg7 : memref<4096xi32, #tpu.memory_space<vmem>>) target_semaphore(%run_scoped3A : memref<!tpu.dma_semaphore, #tpu.memory_space<semaphore_mem>>)
      %dma_wait3A = tpu.memref_slice %arg4[%mul3A_0] : memref<65536xi32, #tpu.memory_space<hbm>> -> memref<4096xi32, #tpu.memory_space<hbm>>
      %dma_wait3A_9 = tpu.memref_slice %arg4[%mul3A_0] : memref<65536xi32, #tpu.memory_space<hbm>> -> memref<4096xi32, #tpu.memory_space<hbm>>
      tpu.wait_dma2 semaphore(%run_scoped3A : memref<!tpu.dma_semaphore, #tpu.memory_space<semaphore_mem>>) src(%dma_wait3A_9 : memref<4096xi32, #tpu.memory_space<hbm>>) dst(%arg7 : memref<4096xi32, #tpu.memory_space<vmem>>)
      tpu.yield
    }) : () -> ()
    %scan3A = arith.constant 0 : i32
    %scan3A_3 = arith.constant 0 : i32
    %scan3A_4 = arith.constant 16 : i32
    %scan3A_5 = arith.addi %scan3A_3, %scan3A_4 : i32
    %scan3A_6 = arith.constant 1 : i32
    scf.for %scan3A_8 = %scan3A_3 to %scan3A_5 step %scan3A_6  : i32 {
      %mul3A_9 = arith.constant 8192 : i32
      %mul3A_10 = arith.muli %scan3A_8, %mul3A_9 : i32
      %add3A = arith.addi %mul3A_2, %mul3A_10 : i32
      %mul3A_11 = arith.constant 512 : i32
      %mul3A_12 = arith.muli %arg1, %mul3A_11 : i32
      %add3A_13 = arith.addi %add3A, %mul3A_12 : i32
      %mul3A_14 = arith.constant 512 : i32
      %mul3A_15 = arith.muli %arg1, %mul3A_14 : i32
      "tpu.region"() ({
        %run_scoped3A = tpu.sem_alloc : memref<!tpu.dma_semaphore, #tpu.memory_space<semaphore_mem>>
        %dma_start3A = arith.constant 0 : i32
        %dma_start3A_110 = tpu.memref_slice %arg6[%mul3A_15, %dma_start3A] : memref<8208x128xf32, #tpu.memory_space<vmem_shared>> -> memref<512x128xf32, #tpu.memory_space<vmem_shared>>
        %dma_start3A_111 = arith.constant 0 : i32
        %dma_start3A_112 = tpu.memref_slice %arg2[%add3A_13, %dma_start3A_111] : memref<262144x128xf32, #tpu.memory_space<hbm>> -> memref<512x128xf32, #tpu.memory_space<hbm>>
        tpu.enqueue_dma source(%dma_start3A_112 : memref<512x128xf32, #tpu.memory_space<hbm>>) target(%dma_start3A_110 : memref<512x128xf32, #tpu.memory_space<vmem_shared>>) target_semaphore(%run_scoped3A : memref<!tpu.dma_semaphore, #tpu.memory_space<semaphore_mem>>)
        %dma_wait3A = arith.constant 0 : i32
        %dma_wait3A_113 = tpu.memref_slice %arg6[%mul3A_15, %dma_wait3A] : memref<8208x128xf32, #tpu.memory_space<vmem_shared>> -> memref<512x128xf32, #tpu.memory_space<vmem_shared>>
        %dma_wait3A_114 = arith.constant 0 : i32
        %dma_wait3A_115 = tpu.memref_slice %arg2[%add3A_13, %dma_wait3A_114] : memref<262144x128xf32, #tpu.memory_space<hbm>> -> memref<512x128xf32, #tpu.memory_space<hbm>>
        tpu.wait_dma2 semaphore(%run_scoped3A : memref<!tpu.dma_semaphore, #tpu.memory_space<semaphore_mem>>) src(%dma_wait3A_115 : memref<512x128xf32, #tpu.memory_space<hbm>>) dst(%dma_wait3A_113 : memref<512x128xf32, #tpu.memory_space<vmem_shared>>)
        tpu.yield
      }) : () -> ()
      %barrier3A = arith.constant 0 : index
      tpu.barrier barrier_id(%barrier3A)
      %scan3A_16 = arith.constant 0 : i32
      %scan3A_17 = arith.constant 0 : i32
      %scan3A_18 = arith.constant 256 : i32
      %scan3A_19 = arith.addi %scan3A_17, %scan3A_18 : i32
      %scan3A_20 = arith.constant 1 : i32
      %scan3A_21 = scf.for %scan3A_110 = %scan3A_17 to %scan3A_19 step %scan3A_20 iter_args(%scan3A_111 = %scan3A_16) -> (i32)  : i32 {
        %mul3A_112 = arith.constant 16 : i32
        %mul3A_113 = arith.muli %scan3A_110, %mul3A_112 : i32
        %get3A = arith.index_cast %mul3A_113 : i32 to index
        %get3A_114 = tpu.vector_load %arg7[%get3A] {strides = array<i32>} : memref<4096xi32, #tpu.memory_space<vmem>>, vector<16xi32>,
        %shift_right_arithmetic3A_115 = arith.constant 1 : i32
        %shift_right_arithmetic3A_116 = vector.broadcast %shift_right_arithmetic3A_115 : i32 to vector<16xi32>
        %shift_right_arithmetic3A_117 = arith.shrsi %get3A_114, %shift_right_arithmetic3A_116 : vector<16xi32>
        %ge3A = vector.broadcast %add3A : i32 to vector<16xi32>
        %ge3A_118 = arith.cmpi sge, %shift_right_arithmetic3A_117, %ge3A : vector<16xi32>
        %add3A_119 = arith.constant 8192 : i32
        %add3A_120 = arith.addi %add3A, %add3A_119 : i32
        %lt3A = vector.broadcast %add3A_120 : i32 to vector<16xi32>
        %lt3A_121 = arith.cmpi slt, %shift_right_arithmetic3A_117, %lt3A : vector<16xi32>
        %and3A_122 = arith.andi %ge3A_118, %lt3A_121 : vector<16xi1>
        %jit3A = arith.constant 1 : i32
        %jit3A_123 = arith.constant 0 : i32
        %broadcast_in_dim3A_124 = vector.broadcast %jit3A : i32 to vector<16xi32>
        %broadcast_in_dim3A_125 = vector.broadcast %jit3A_123 : i32 to vector<16xi32>
        %select_n3A = arith.select %and3A_122, %broadcast_in_dim3A_124, %broadcast_in_dim3A_125 : vector<16xi1>, vector<16xi32>
        %broadcast_in_dim3A_126 = arith.constant true
        %broadcast_in_dim3A_127 = vector.broadcast %broadcast_in_dim3A_126 : i1 to vector<16xi1>
        %masked_cumsum3A = tpu.scan <sum>, %select_n3A masked %broadcast_in_dim3A_127 : vector<16xi32>, vector<16xi1> -> vector<16xi32>
        %add3A_128 = vector.broadcast %scan3A_111 : i32 to vector<16xi32>
        %add3A_129 = arith.addi %add3A_128, %masked_cumsum3A : vector<16xi32>
        %sub3A = arith.constant 1 : i32
        %sub3A_130 = vector.broadcast %sub3A : i32 to vector<16xi32>
        %sub3A_131 = arith.subi %add3A_129, %sub3A_130 : vector<16xi32>
        %mul3A_132 = arith.constant 16 : i32
        %mul3A_133 = arith.muli %scan3A_110, %mul3A_132 : i32
        %add3A_134 = arith.addi %mul3A_0, %mul3A_133 : i32
        %add3A_135 = vector.broadcast %add3A_134 : i32 to vector<16xi32>
        %add3A_136 = arith.addi %add3A_135, %iota3A : vector<16xi32>
        %shift_right_arithmetic3A_137 = arith.constant 6 : i32
        %shift_right_arithmetic3A_138 = vector.broadcast %shift_right_arithmetic3A_137 : i32 to vector<16xi32>
        %shift_right_arithmetic3A_139 = arith.shrsi %sub3A_131, %shift_right_arithmetic3A_138 : vector<16xi32>
        %and3A_140 = arith.constant 63 : i32
        %and3A_141 = vector.broadcast %and3A_140 : i32 to vector<16xi32>
        %and3A_142 = arith.andi %sub3A_131, %and3A_141 : vector<16xi32>
        %shift_left3A = arith.constant 1 : i32
        %shift_left3A_143 = vector.broadcast %shift_left3A : i32 to vector<16xi32>
        %shift_left3A_144 = arith.shli %add3A_136, %shift_left3A_143 : vector<16xi32>
        %and3A_145 = arith.constant 1 : i32
        %and3A_146 = vector.broadcast %and3A_145 : i32 to vector<16xi32>
        %and3A_147 = arith.andi %get3A_114, %and3A_146 : vector<16xi32>
        %or3A = arith.ori %shift_left3A_144, %and3A_147 : vector<16xi32>
        tpu.vector_store_idx %arg8[%shift_right_arithmetic3A_139, %and3A_142], %or3A masked %and3A_122 : memref<65x64xi32, #tpu.memory_space<vmem>>[vector<16xi32>, vector<16xi32>], vector<16xi32>, vector<16xi1>
        %shift_right_arithmetic3A_148 = arith.constant 6 : i32
        %shift_right_arithmetic3A_149 = vector.broadcast %shift_right_arithmetic3A_148 : i32 to vector<16xi32>
        %shift_right_arithmetic3A_150 = arith.shrsi %sub3A_131, %shift_right_arithmetic3A_149 : vector<16xi32>
        %and3A_151 = arith.constant 63 : i32
        %and3A_152 = vector.broadcast %and3A_151 : i32 to vector<16xi32>
        %and3A_153 = arith.andi %sub3A_131, %and3A_152 : vector<16xi32>
        %sub3A_154 = vector.broadcast %add3A : i32 to vector<16xi32>
        %sub3A_155 = arith.subi %shift_right_arithmetic3A_117, %sub3A_154 : vector<16xi32>
        tpu.vector_store_idx %arg9[%shift_right_arithmetic3A_150, %and3A_153], %sub3A_155 masked %and3A_122 : memref<65x64xi32, #tpu.memory_space<vmem>>[vector<16xi32>, vector<16xi32>], vector<16xi32>, vector<16xi1>
        %all_reduce_population_count3A = tpu.all_reduce %and3A_122 {dim = 0 : i64, kind = #tpu.reduction_kind<sum>} : vector<16xi1> -> vector<16xi32>
        %slice3A = vector.extract_strided_slice %all_reduce_population_count3A {offsets = [0], sizes = [1], strides = [1]} : vector<16xi32> to vector<1xi32>
        %squeeze3A = vector.extract %slice3A[0] : i32 from vector<1xi32>
        %add3A_156 = arith.addi %scan3A_111, %squeeze3A : i32
        scf.yield %add3A_156 : i32
      }
      %scan3A_22 = arith.constant 256 : i32
      %broadcast_in_dim3A = arith.constant 8192 : i32
      %broadcast_in_dim3A_23 = vector.broadcast %broadcast_in_dim3A : i32 to vector<16xi32>
      %add3A_24 = vector.broadcast %arg1 : i32 to vector<16xi32>
      %add3A_25 = arith.addi %broadcast_in_dim3A_23, %add3A_24 : vector<16xi32>
      %broadcast_in_dim3A_26 = arith.constant 0 : i32
      %broadcast_in_dim3A_27 = vector.broadcast %broadcast_in_dim3A_26 : i32 to vector<16xi32>
      %add3A_28 = arith.constant 0 : i32
      %add3A_29 = arith.addi %scan3A_21, %add3A_28 : i32
      %add3A_30 = vector.broadcast %add3A_29 : i32 to vector<16xi32>
      %add3A_31 = arith.addi %add3A_30, %iota3A : vector<16xi32>
      %shift_right_arithmetic3A = arith.constant 6 : i32
      %shift_right_arithmetic3A_32 = vector.broadcast %shift_right_arithmetic3A : i32 to vector<16xi32>
      %shift_right_arithmetic3A_33 = arith.shrsi %add3A_31, %shift_right_arithmetic3A_32 : vector<16xi32>
      %and3A = arith.constant 63 : i32
      %and3A_34 = vector.broadcast %and3A : i32 to vector<16xi32>
      %and3A_35 = arith.andi %add3A_31, %and3A_34 : vector<16xi32>
      tpu.vector_store_idx %arg8[%shift_right_arithmetic3A_33, %and3A_35], %broadcast_in_dim3A_27 : memref<65x64xi32, #tpu.memory_space<vmem>>[vector<16xi32>, vector<16xi32>], vector<16xi32>,
      %shift_right_arithmetic3A_36 = arith.constant 6 : i32
      %shift_right_arithmetic3A_37 = vector.broadcast %shift_right_arithmetic3A_36 : i32 to vector<16xi32>
      %shift_right_arithmetic3A_38 = arith.shrsi %add3A_31, %shift_right_arithmetic3A_37 : vector<16xi32>
      %and3A_39 = arith.constant 63 : i32
      %and3A_40 = vector.broadcast %and3A_39 : i32 to vector<16xi32>
      %and3A_41 = arith.andi %add3A_31, %and3A_40 : vector<16xi32>
      tpu.vector_store_idx %arg9[%shift_right_arithmetic3A_38, %and3A_41], %add3A_25 : memref<65x64xi32, #tpu.memory_space<vmem>>[vector<16xi32>, vector<16xi32>], vector<16xi32>,
      %add3A_42 = arith.constant 16 : i32
      %add3A_43 = arith.addi %scan3A_21, %add3A_42 : i32
      %add3A_44 = vector.broadcast %add3A_43 : i32 to vector<16xi32>
      %add3A_45 = arith.addi %add3A_44, %iota3A : vector<16xi32>
      %shift_right_arithmetic3A_46 = arith.constant 6 : i32
      %shift_right_arithmetic3A_47 = vector.broadcast %shift_right_arithmetic3A_46 : i32 to vector<16xi32>
      %shift_right_arithmetic3A_48 = arith.shrsi %add3A_45, %shift_right_arithmetic3A_47 : vector<16xi32>
      %and3A_49 = arith.constant 63 : i32
      %and3A_50 = vector.broadcast %and3A_49 : i32 to vector<16xi32>
      %and3A_51 = arith.andi %add3A_45, %and3A_50 : vector<16xi32>
      tpu.vector_store_idx %arg8[%shift_right_arithmetic3A_48, %and3A_51], %broadcast_in_dim3A_27 : memref<65x64xi32, #tpu.memory_space<vmem>>[vector<16xi32>, vector<16xi32>], vector<16xi32>,
      %shift_right_arithmetic3A_52 = arith.constant 6 : i32
      %shift_right_arithmetic3A_53 = vector.broadcast %shift_right_arithmetic3A_52 : i32 to vector<16xi32>
      %shift_right_arithmetic3A_54 = arith.shrsi %add3A_45, %shift_right_arithmetic3A_53 : vector<16xi32>
      %and3A_55 = arith.constant 63 : i32
      %and3A_56 = vector.broadcast %and3A_55 : i32 to vector<16xi32>
      %and3A_57 = arith.andi %add3A_45, %and3A_56 : vector<16xi32>
      tpu.vector_store_idx %arg9[%shift_right_arithmetic3A_54, %and3A_57], %add3A_25 : memref<65x64xi32, #tpu.memory_space<vmem>>[vector<16xi32>, vector<16xi32>], vector<16xi32>,
      %add3A_58 = arith.constant 32 : i32
      %add3A_59 = arith.addi %scan3A_21, %add3A_58 : i32
      %add3A_60 = vector.broadcast %add3A_59 : i32 to vector<16xi32>
      %add3A_61 = arith.addi %add3A_60, %iota3A : vector<16xi32>
      %shift_right_arithmetic3A_62 = arith.constant 6 : i32
      %shift_right_arithmetic3A_63 = vector.broadcast %shift_right_arithmetic3A_62 : i32 to vector<16xi32>
      %shift_right_arithmetic3A_64 = arith.shrsi %add3A_61, %shift_right_arithmetic3A_63 : vector<16xi32>
      %and3A_65 = arith.constant 63 : i32
      %and3A_66 = vector.broadcast %and3A_65 : i32 to vector<16xi32>
      %and3A_67 = arith.andi %add3A_61, %and3A_66 : vector<16xi32>
      tpu.vector_store_idx %arg8[%shift_right_arithmetic3A_64, %and3A_67], %broadcast_in_dim3A_27 : memref<65x64xi32, #tpu.memory_space<vmem>>[vector<16xi32>, vector<16xi32>], vector<16xi32>,
      %shift_right_arithmetic3A_68 = arith.constant 6 : i32
      %shift_right_arithmetic3A_69 = vector.broadcast %shift_right_arithmetic3A_68 : i32 to vector<16xi32>
      %shift_right_arithmetic3A_70 = arith.shrsi %add3A_61, %shift_right_arithmetic3A_69 : vector<16xi32>
      %and3A_71 = arith.constant 63 : i32
      %and3A_72 = vector.broadcast %and3A_71 : i32 to vector<16xi32>
      %and3A_73 = arith.andi %add3A_61, %and3A_72 : vector<16xi32>
      tpu.vector_store_idx %arg9[%shift_right_arithmetic3A_70, %and3A_73], %add3A_25 : memref<65x64xi32, #tpu.memory_space<vmem>>[vector<16xi32>, vector<16xi32>], vector<16xi32>,
      %add3A_74 = arith.constant 48 : i32
      %add3A_75 = arith.addi %scan3A_21, %add3A_74 : i32
      %add3A_76 = vector.broadcast %add3A_75 : i32 to vector<16xi32>
      %add3A_77 = arith.addi %add3A_76, %iota3A : vector<16xi32>
      %shift_right_arithmetic3A_78 = arith.constant 6 : i32
      %shift_right_arithmetic3A_79 = vector.broadcast %shift_right_arithmetic3A_78 : i32 to vector<16xi32>
      %shift_right_arithmetic3A_80 = arith.shrsi %add3A_77, %shift_right_arithmetic3A_79 : vector<16xi32>
      %and3A_81 = arith.constant 63 : i32
      %and3A_82 = vector.broadcast %and3A_81 : i32 to vector<16xi32>
      %and3A_83 = arith.andi %add3A_77, %and3A_82 : vector<16xi32>
      tpu.vector_store_idx %arg8[%shift_right_arithmetic3A_80, %and3A_83], %broadcast_in_dim3A_27 : memref<65x64xi32, #tpu.memory_space<vmem>>[vector<16xi32>, vector<16xi32>], vector<16xi32>,
      %shift_right_arithmetic3A_84 = arith.constant 6 : i32
      %shift_right_arithmetic3A_85 = vector.broadcast %shift_right_arithmetic3A_84 : i32 to vector<16xi32>
      %shift_right_arithmetic3A_86 = arith.shrsi %add3A_77, %shift_right_arithmetic3A_85 : vector<16xi32>
      %and3A_87 = arith.constant 63 : i32
      %and3A_88 = vector.broadcast %and3A_87 : i32 to vector<16xi32>
      %and3A_89 = arith.andi %add3A_77, %and3A_88 : vector<16xi32>
      tpu.vector_store_idx %arg9[%shift_right_arithmetic3A_86, %and3A_89], %add3A_25 : memref<65x64xi32, #tpu.memory_space<vmem>>[vector<16xi32>, vector<16xi32>], vector<16xi32>,
      %add3A_90 = arith.constant 63 : i32
      %add3A_91 = arith.addi %scan3A_21, %add3A_90 : i32
      %shift_right_arithmetic3A_92 = arith.constant 6 : i32
      %shift_right_arithmetic3A_93 = arith.shrsi %add3A_91, %shift_right_arithmetic3A_92 : i32
      %while3A = arith.constant 0 : i32
      %while3A_94 = arith.constant 0 : i32
      %while3A_95 = arith.subi %shift_right_arithmetic3A_93, %while3A_94 : i32
      %while3A_96 = arith.addi %while3A_94, %while3A_95 : i32
      %while3A_97 = arith.constant 1 : i32
      %while3A_98 = arith.divsi %while3A_95, %while3A_97 : i32
      %while3A_99 = arith.muli %while3A_98, %while3A_97 : i32
      %while3A_100 = arith.addi %while3A_94, %while3A_99 : i32
      %while3A_101 = arith.constant 1 : i32
      scf.for %while3A_110 = %while3A_94 to %while3A_100 step %while3A_101  : i32 {
        %dma_start3A = arith.constant 0 : i32
        %dma_start3A_111 = tpu.memref_slice %arg8[%while3A_110, %dma_start3A] : memref<65x64xi32, #tpu.memory_space<vmem>> -> memref<1x64xi32, #tpu.memory_space<vmem>>
        %dma_start3A_112 = tpu.memref_squeeze %dma_start3A_111 : memref<1x64xi32, #tpu.memory_space<vmem>> -> memref<64xi32, #tpu.memory_space<vmem>>
        %dma_start3A_113 = arith.constant 0 : i32
        %dma_start3A_114 = arith.constant 0 : i32
        %dma_start3A_115 = tpu.memref_slice %arg3[%dma_start3A_113, %dma_start3A_114] : memref<131072x128xf32, #tpu.memory_space<hbm>> -> memref<131072x128xf32, #tpu.memory_space<hbm>>
        tpu.enqueue_indirect_dma source(%dma_start3A_115 : memref<131072x128xf32, #tpu.memory_space<hbm>>) target(%arg10 : memref<64x128xf32, #tpu.memory_space<vmem>>) offsets(%dma_start3A_112 : memref<64xi32, #tpu.memory_space<vmem>>) semaphore(%arg11 : memref<!tpu.dma_semaphore, #tpu.memory_space<semaphore_mem>>)
        %dma_wait3A = arith.constant 0 : i32
        %dma_wait3A_116 = tpu.memref_slice %arg8[%while3A_110, %dma_wait3A] : memref<65x64xi32, #tpu.memory_space<vmem>> -> memref<1x64xi32, #tpu.memory_space<vmem>>
        %dma_wait3A_117 = tpu.memref_squeeze %dma_wait3A_116 : memref<1x64xi32, #tpu.memory_space<vmem>> -> memref<64xi32, #tpu.memory_space<vmem>>
        %dma_wait3A_118 = arith.constant 0 : i32
        %dma_wait3A_119 = arith.constant 0 : i32
        %dma_wait3A_120 = tpu.memref_slice %arg3[%dma_wait3A_118, %dma_wait3A_119] : memref<131072x128xf32, #tpu.memory_space<hbm>> -> memref<131072x128xf32, #tpu.memory_space<hbm>>
        tpu.wait_indirect_dma semaphore(%arg11 : memref<!tpu.dma_semaphore, #tpu.memory_space<semaphore_mem>>) src(%dma_wait3A_120 : memref<131072x128xf32, #tpu.memory_space<hbm>>) dst(%arg10 : memref<64x128xf32, #tpu.memory_space<vmem>>)
        "tpu.region"() ({
          %run_scoped3A = tpu.sem_alloc : memref<!tpu.dma_semaphore, #tpu.memory_space<semaphore_mem>>
          %dma_start3A_121 = arith.constant 0 : i32
          %dma_start3A_122 = tpu.memref_slice %arg9[%while3A_110, %dma_start3A_121] : memref<65x64xi32, #tpu.memory_space<vmem>> -> memref<1x64xi32, #tpu.memory_space<vmem>>
          %dma_start3A_123 = tpu.memref_squeeze %dma_start3A_122 : memref<1x64xi32, #tpu.memory_space<vmem>> -> memref<64xi32, #tpu.memory_space<vmem>>
          %dma_start3A_124 = arith.constant 0 : i32
          %dma_start3A_125 = arith.constant 0 : i32
          %dma_start3A_126 = tpu.memref_slice %arg6[%dma_start3A_124, %dma_start3A_125] : memref<8208x128xf32, #tpu.memory_space<vmem_shared>> -> memref<8208x128xf32, #tpu.memory_space<vmem_shared>>
          tpu.enqueue_indirect_dma source(%arg10 : memref<64x128xf32, #tpu.memory_space<vmem>>) target(%dma_start3A_126 : memref<8208x128xf32, #tpu.memory_space<vmem_shared>>) offsets(%dma_start3A_123 : memref<64xi32, #tpu.memory_space<vmem>>) semaphore(%run_scoped3A : memref<!tpu.dma_semaphore, #tpu.memory_space<semaphore_mem>>) {add = true}
          %dma_wait3A_127 = arith.constant 0 : i32
          %dma_wait3A_128 = tpu.memref_slice %arg9[%while3A_110, %dma_wait3A_127] : memref<65x64xi32, #tpu.memory_space<vmem>> -> memref<1x64xi32, #tpu.memory_space<vmem>>
          %dma_wait3A_129 = tpu.memref_squeeze %dma_wait3A_128 : memref<1x64xi32, #tpu.memory_space<vmem>> -> memref<64xi32, #tpu.memory_space<vmem>>
          %dma_wait3A_130 = arith.constant 0 : i32
          %dma_wait3A_131 = arith.constant 0 : i32
          %dma_wait3A_132 = tpu.memref_slice %arg6[%dma_wait3A_130, %dma_wait3A_131] : memref<8208x128xf32, #tpu.memory_space<vmem_shared>> -> memref<8208x128xf32, #tpu.memory_space<vmem_shared>>
          tpu.wait_indirect_dma semaphore(%run_scoped3A : memref<!tpu.dma_semaphore, #tpu.memory_space<semaphore_mem>>) src(%arg10 : memref<64x128xf32, #tpu.memory_space<vmem>>) dst(%dma_wait3A_132 : memref<8208x128xf32, #tpu.memory_space<vmem_shared>>)
          tpu.yield
        }) : () -> ()
      }
      %while3A_102 = arith.constant 1 : i32
      scf.for %while3A_110 = %while3A_100 to %while3A_96 step %while3A_102  : i32 {
        %dma_start3A = arith.constant 0 : i32
        %dma_start3A_111 = tpu.memref_slice %arg8[%while3A_110, %dma_start3A] : memref<65x64xi32, #tpu.memory_space<vmem>> -> memref<1x64xi32, #tpu.memory_space<vmem>>
        %dma_start3A_112 = tpu.memref_squeeze %dma_start3A_111 : memref<1x64xi32, #tpu.memory_space<vmem>> -> memref<64xi32, #tpu.memory_space<vmem>>
        %dma_start3A_113 = arith.constant 0 : i32
        %dma_start3A_114 = arith.constant 0 : i32
        %dma_start3A_115 = tpu.memref_slice %arg3[%dma_start3A_113, %dma_start3A_114] : memref<131072x128xf32, #tpu.memory_space<hbm>> -> memref<131072x128xf32, #tpu.memory_space<hbm>>
        tpu.enqueue_indirect_dma source(%dma_start3A_115 : memref<131072x128xf32, #tpu.memory_space<hbm>>) target(%arg10 : memref<64x128xf32, #tpu.memory_space<vmem>>) offsets(%dma_start3A_112 : memref<64xi32, #tpu.memory_space<vmem>>) semaphore(%arg11 : memref<!tpu.dma_semaphore, #tpu.memory_space<semaphore_mem>>)
        %dma_wait3A = arith.constant 0 : i32
        %dma_wait3A_116 = tpu.memref_slice %arg8[%while3A_110, %dma_wait3A] : memref<65x64xi32, #tpu.memory_space<vmem>> -> memref<1x64xi32, #tpu.memory_space<vmem>>
        %dma_wait3A_117 = tpu.memref_squeeze %dma_wait3A_116 : memref<1x64xi32, #tpu.memory_space<vmem>> -> memref<64xi32, #tpu.memory_space<vmem>>
        %dma_wait3A_118 = arith.constant 0 : i32
        %dma_wait3A_119 = arith.constant 0 : i32
        %dma_wait3A_120 = tpu.memref_slice %arg3[%dma_wait3A_118, %dma_wait3A_119] : memref<131072x128xf32, #tpu.memory_space<hbm>> -> memref<131072x128xf32, #tpu.memory_space<hbm>>
        tpu.wait_indirect_dma semaphore(%arg11 : memref<!tpu.dma_semaphore, #tpu.memory_space<semaphore_mem>>) src(%dma_wait3A_120 : memref<131072x128xf32, #tpu.memory_space<hbm>>) dst(%arg10 : memref<64x128xf32, #tpu.memory_space<vmem>>)
        "tpu.region"() ({
          %run_scoped3A = tpu.sem_alloc : memref<!tpu.dma_semaphore, #tpu.memory_space<semaphore_mem>>
          %dma_start3A_121 = arith.constant 0 : i32
          %dma_start3A_122 = tpu.memref_slice %arg9[%while3A_110, %dma_start3A_121] : memref<65x64xi32, #tpu.memory_space<vmem>> -> memref<1x64xi32, #tpu.memory_space<vmem>>
          %dma_start3A_123 = tpu.memref_squeeze %dma_start3A_122 : memref<1x64xi32, #tpu.memory_space<vmem>> -> memref<64xi32, #tpu.memory_space<vmem>>
          %dma_start3A_124 = arith.constant 0 : i32
          %dma_start3A_125 = arith.constant 0 : i32
          %dma_start3A_126 = tpu.memref_slice %arg6[%dma_start3A_124, %dma_start3A_125] : memref<8208x128xf32, #tpu.memory_space<vmem_shared>> -> memref<8208x128xf32, #tpu.memory_space<vmem_shared>>
          tpu.enqueue_indirect_dma source(%arg10 : memref<64x128xf32, #tpu.memory_space<vmem>>) target(%dma_start3A_126 : memref<8208x128xf32, #tpu.memory_space<vmem_shared>>) offsets(%dma_start3A_123 : memref<64xi32, #tpu.memory_space<vmem>>) semaphore(%run_scoped3A : memref<!tpu.dma_semaphore, #tpu.memory_space<semaphore_mem>>) {add = true}
          %dma_wait3A_127 = arith.constant 0 : i32
          %dma_wait3A_128 = tpu.memref_slice %arg9[%while3A_110, %dma_wait3A_127] : memref<65x64xi32, #tpu.memory_space<vmem>> -> memref<1x64xi32, #tpu.memory_space<vmem>>
          %dma_wait3A_129 = tpu.memref_squeeze %dma_wait3A_128 : memref<1x64xi32, #tpu.memory_space<vmem>> -> memref<64xi32, #tpu.memory_space<vmem>>
          %dma_wait3A_130 = arith.constant 0 : i32
          %dma_wait3A_131 = arith.constant 0 : i32
          %dma_wait3A_132 = tpu.memref_slice %arg6[%dma_wait3A_130, %dma_wait3A_131] : memref<8208x128xf32, #tpu.memory_space<vmem_shared>> -> memref<8208x128xf32, #tpu.memory_space<vmem_shared>>
          tpu.wait_indirect_dma semaphore(%run_scoped3A : memref<!tpu.dma_semaphore, #tpu.memory_space<semaphore_mem>>) src(%arg10 : memref<64x128xf32, #tpu.memory_space<vmem>>) dst(%dma_wait3A_132 : memref<8208x128xf32, #tpu.memory_space<vmem_shared>>)
          tpu.yield
        }) : () -> ()
      }
      %barrier3A_103 = arith.constant 0 : index
      tpu.barrier barrier_id(%barrier3A_103)
      %mul3A_104 = arith.constant 512 : i32
      %mul3A_105 = arith.muli %arg1, %mul3A_104 : i32
      %mul3A_106 = arith.constant 512 : i32
      %mul3A_107 = arith.muli %arg1, %mul3A_106 : i32
      %add3A_108 = arith.addi %add3A, %mul3A_107 : i32
      "tpu.region"() ({
        %run_scoped3A = tpu.sem_alloc : memref<!tpu.dma_semaphore, #tpu.memory_space<semaphore_mem>>
        %dma_start3A = arith.constant 0 : i32
        %dma_start3A_110 = tpu.memref_slice %arg5[%add3A_108, %dma_start3A] : memref<262144x128xf32, #tpu.memory_space<hbm>> -> memref<512x128xf32, #tpu.memory_space<hbm>>
        %dma_start3A_111 = arith.constant 0 : i32
        %dma_start3A_112 = tpu.memref_slice %arg6[%mul3A_105, %dma_start3A_111] : memref<8208x128xf32, #tpu.memory_space<vmem_shared>> -> memref<512x128xf32, #tpu.memory_space<vmem_shared>>
        tpu.enqueue_dma source(%dma_start3A_112 : memref<512x128xf32, #tpu.memory_space<vmem_shared>>) target(%dma_start3A_110 : memref<512x128xf32, #tpu.memory_space<hbm>>) target_semaphore(%run_scoped3A : memref<!tpu.dma_semaphore, #tpu.memory_space<semaphore_mem>>)
        %dma_wait3A = arith.constant 0 : i32
        %dma_wait3A_113 = tpu.memref_slice %arg5[%add3A_108, %dma_wait3A] : memref<262144x128xf32, #tpu.memory_space<hbm>> -> memref<512x128xf32, #tpu.memory_space<hbm>>
        %dma_wait3A_114 = arith.constant 0 : i32
        %dma_wait3A_115 = tpu.memref_slice %arg6[%mul3A_105, %dma_wait3A_114] : memref<8208x128xf32, #tpu.memory_space<vmem_shared>> -> memref<512x128xf32, #tpu.memory_space<vmem_shared>>
        tpu.wait_dma2 semaphore(%run_scoped3A : memref<!tpu.dma_semaphore, #tpu.memory_space<semaphore_mem>>) src(%dma_wait3A_115 : memref<512x128xf32, #tpu.memory_space<vmem_shared>>) dst(%dma_wait3A_113 : memref<512x128xf32, #tpu.memory_space<hbm>>)
        tpu.yield
      }) : () -> ()
      %barrier3A_109 = arith.constant 0 : index
      tpu.barrier barrier_id(%barrier3A_109)
    }
    %scan3A_7 = arith.constant 16 : i32
    return
  }
}

</mosaic_0001>

<sc_bundles>
// kernel: kernel.3.cloned.1.call-start
scs
__scs_entry_jumppad:
0x0: {  	(pc) =	sbr.rel $0x88, $3  }
0x1: {  	(tag) =	ssettag $0x0;
	lr =	simm.s32 $0x1  }
0x2: {  	[smem:$0x3F9E] =	sst lr;
	_ =	strace $0xD0000000  }
0x3: {  	_ = 	snop  }
0x4: {  	_ = 	snop  }
0x5: {  	_ = 	snop  }
0x6: {  	_ = 	snop  }
0x7: {  	_ = 	snop  }
__scs_overlays_trampoline_lowered:
0x8: {  	[smem:$0x3FAD] =	sst s0  }
0x9: {  	[smem:$0x3FAE] =	sst s1  }
0xa: {  	[smem:$0x3FAF] =	sst s2  }
0xb: {  	[smem:$0x3FB0] =	sst s3  }
0xc: {  	[smem:$0x3FB1] =	sst s4  }
0xd: {  	[smem:$0x3FB2] =	sst s5  }
0xe: {  	[smem:$0x3FB3] =	sst s6  }
0xf: {  	[smem:$0x3FB4] =	sst s7  }
0x10: {  	[smem:$0x3FB5] =	sst s8  }
0x11: {  	[smem:$0x3FB6] =	sst s9;
	s0 =	simm.s32 @!p0 $0x0  }
0x12: {  	s1 =	sld [smem:$0x3F9C];
	s0 =	simm.s32 @p0 $0x1  }
0x13: {  	[smem:$0x3FB7] =	sst s0;
	s0 =	simm.s32 @!p1 $0x0  }
0x14: {  	s2 =	sld [smem:$0x3F9B];
	s0 =	simm.s32 @p1 $0x1  }
0x15: {  	[smem:$0x3FB8] =	sst s0;
	s0 =	simm.s32 @!p2 $0x0  }
0x16: {  	s3 =	sld [smem:$0x3FDB];
	s0 =	simm.s32 @p2 $0x1  }
0x17: {  	s4 =	simm.s32 $0x1BF5;
	[smem:$0x3FBA] =	sst s0  }
0x18: {  	s0 =	sld [smem:$0x3F9D];
	_ =	swait.ge [sflag:s4], $0x0  }
0x19: {  	s7 =	sld [smem:$0x3F9E]  }
0x1a: {  	s8 =	sadd.s32 $0xFFFFE003, lr  }
0x1b: {  	s9 =	sadd.s32 $0xFFFFFEF7, lr;
	s5 =	simm.s32 $0xFFFFFFFF;
	p2 =	slt.u32 s8, $0xFFFFF086  }
0x1c: {  	p1 =	slt.u32 s9, $0xF7A;
	s5 =	simm.s32 @!p2 $0x0  }
0x1d: {  	s5 =	simm.s32 @p1 $0x1;
	p0 =	seq.s32 s7, s2  }
0x1e: {  	s7 =	smul.u32 @!p0 $0xF7A, s2;
	p2 =	seq.s32 @!p0 s5, $0x0  }
0x1f: {  	s9 =	smul.u32 $0xF7A, s1;
	s8 =	simm.s32 @!p0 $0x1BF5;
	p2 =	por !p2, p0  }
0x20: {  	[sflag:s8] =	ssyncset.s32 @!p0 $0xFFFFF086;
	s6 =	sadd.s32 @!p0 s3, s7;
	s7 =	simm.s32 @!p0 $0x108  }
0x21: {  	s3 =	sadd.s32 s3, s9;
	s6 =	sadd.s32 @!p0 $0x88, s6;
	s7 =	simm.s32 @p2 $0x1082  }
0x22: {  	[simem:s7], [sflag:s8] =	dma.local @!p0 [hbm:s6], $0xF7A  }
0x23: {  	s9 =	sor.u32 $0xD0000000, s2;
	s6 =	simm.s32 $0x108;
	_ =	swait.ge @!p0 [sflag:s8], $0x0  }
0x24: {  	s3 =	sadd.s32 $0x88, s3;
	s6 =	simm.s32 @!p1 $0x1082;
	[sflag:s4] =	ssyncset.s32 $0xFFFFF086  }
0x25: {  	[simem:s6], [sflag:s4] =	dma.local [hbm:s3], $0xF7A  }
0x26: {  	[smem:$0x3F9E] =	sst s1;
	(tag) =	ssettag s2;
	_ =	strace s9  }
0x27: {  	s1 =	sld [smem:$0x3FAE]  }
0x28: {  	s2 =	sld [smem:$0x3FAF]  }
0x29: {  	s4 =	sld [smem:$0x3FB1]  }
0x2a: {  	p0 =	seq.s32 s5, $0x0;
	s5 =	sld [smem:$0x3FB2]  }
0x2b: {  	s6 =	sld [smem:$0x3FB3]  }
0x2c: {  	s7 =	sld [smem:$0x3FB4]  }
0x2d: {  	s3 =	simm.s32 $0x108;
	s8 =	sld [smem:$0x3FB5]  }
0x2e: {  	s3 =	simm.s32 @!p0 $0x1082;
	s9 =	sld [smem:$0x3FB6]  }
0x2f: {  	lr =	sadd.s32 s0, s3;
	s0 =	sld [smem:$0x3FAD]  }
0x30: {  	s3 =	sld [smem:$0x3FB0]  }
0x31: {  	[smem:$0x3FB9] =	sst s10  }
0x32: {  	s10 =	sld [smem:$0x3FB7];
	_ =	sdelay $0x3  }
0x33: {  	p0 =	seq.s32 s10, $0x1;
	s10 =	sld [smem:$0x3FB9];
	_ =	sdelay $0x3  }
0x34: {  	[smem:$0x3FB9] =	sst s10  }
0x35: {  	s10 =	sld [smem:$0x3FB8];
	_ =	sdelay $0x3  }
0x36: {  	p1 =	seq.s32 s10, $0x1;
	s10 =	sld [smem:$0x3FB9];
	_ =	sdelay $0x3  }
0x37: {  	[smem:$0x3FB9] =	sst s10  }
0x38: {  	s10 =	sld [smem:$0x3FBA]  }
0x39: {  	_ = 	snop;
	(pc) =	sbr.ind lr, $3  }
0x3a: {  	_ = 	snop  }
0x3b: {  	_ = 	snop  }
0x3c: {  	p2 =	seq.s32 s10, $0x1;
	s10 =	sld [smem:$0x3FB9]  }
0x3d: {  	_ =	shalt  }
0x3e: {  	_ =	shalt  }
0x3f: {  	_ =	shalt  }
0x40: {  	_ =	shalt  }
0x41: {  	_ =	shalt  }
0x42: {  	_ =	shalt  }
0x43: {  	_ =	shalt  }
0x44: {  	_ =	shalt  }
0x45: {  	_ =	shalt  }
0x46: {  	_ =	shalt  }
0x47: {  	_ =	shalt  }
0x48: {  	_ =	shalt  }
0x49: {  	_ =	shalt  }
0x4a: {  	_ =	shalt  }
0x4b: {  	_ =	shalt  }
0x4c: {  	_ =	shalt  }
0x4d: {  	_ =	shalt  }
0x4e: {  	_ =	shalt  }
0x4f: {  	_ =	shalt  }
0x50: {  	_ =	shalt  }
0x51: {  	_ =	shalt  }
0x52: {  	_ =	shalt  }
0x53: {  	_ =	shalt  }
0x54: {  	_ =	shalt  }
0x55: {  	_ =	shalt  }
0x56: {  	_ =	shalt  }
0x57: {  	_ =	shalt  }
0x58: {  	_ =	shalt  }
0x59: {  	_ =	shalt  }
0x5a: {  	_ =	shalt  }
0x5b: {  	_ =	shalt  }
0x5c: {  	_ =	shalt  }
0x5d: {  	_ =	shalt  }
0x5e: {  	_ =	shalt  }
0x5f: {  	_ =	shalt  }
0x60: {  	_ =	shalt  }
0x61: {  	_ =	shalt  }
0x62: {  	_ =	shalt  }
0x63: {  	_ =	shalt  }
0x64: {  	_ =	shalt  }
0x65: {  	_ =	shalt  }
0x66: {  	_ =	shalt  }
0x67: {  	_ =	shalt  }
0x68: {  	_ =	shalt  }
0x69: {  	_ =	shalt  }
0x6a: {  	_ =	shalt  }
0x6b: {  	_ =	shalt  }
0x6c: {  	_ =	shalt  }
0x6d: {  	_ =	shalt  }
0x6e: {  	_ =	shalt  }
0x6f: {  	_ =	shalt  }
0x70: {  	_ =	shalt  }
0x71: {  	_ =	shalt  }
0x72: {  	_ =	shalt  }
0x73: {  	_ =	shalt  }
0x74: {  	_ =	shalt  }
0x75: {  	_ =	shalt  }
0x76: {  	_ =	shalt  }
0x77: {  	_ =	shalt  }
0x78: {  	_ =	shalt  }
0x79: {  	_ =	shalt  }
0x7a: {  	_ =	shalt  }
0x7b: {  	_ =	shalt  }
0x7c: {  	_ =	shalt  }
0x7d: {  	_ =	shalt  }
0x7e: {  	_ =	shalt  }
0x7f: {  	_ =	shalt  }
0x80: {  	_ =	shalt  }
0x81: {  	_ =	shalt  }
0x82: {  	_ =	shalt  }
0x83: {  	_ =	shalt  }
0x84: {  	_ =	shalt  }
0x85: {  	_ =	shalt  }
0x86: {  	_ =	shalt  }
0x87: {  	_ =	shalt  }
.Lfunc_end0:
.L_simem_size_0:
called_computation.2_lowered:
.L_overlay_start_0:
0x88: {  	s2 =	sld [smem:$0x3FD9]  }
0x89: {  	s3 =	sld [smem:$0x3FFE];
	_ =	sdelay $0x1  }
0x8a: {  	s1 =	srdreg.scid  }
0x8b: {  	s0 =	sand.u32 $0x1, s1  }
0x8c: {  	s17 =	sshll.u32 s0, $0xA;
	s2 =	sadd.s32 s3, s2  }
0x8d: {  	s2 =	sadd.s32 s2, s17  }
0x8e: {  	[smem:$0x3FC5] =	sst s2  }
0x8f: {  	_ = 	snop  }
0x90: {  	s2 =	sld [smem:$0x3FC7]  }
0x91: {  	s18 =	sld [smem:$0x3FD0];
	(tm) =	ssettm $0x1  }
0x92: {  	s4 =	sld [smem:$0x3FFB];
	_ =	sdelay $0x3  }
0x93: {  	_ =	strace s4  }
0x94: {  	s4 =	sld [smem:$0x3FFC];
	_ =	sdelay $0x3  }
0x95: {  	_ =	strace s4  }
0x96: {  	s4 =	sld [smem:$0x3FFD];
	_ =	sdelay $0x3  }
0x97: {  	_ =	strace s4  }
0x98: {  	_ =	strace $0x8FFFFFFF  }
0x99: {  	s19 =	sld [smem:$0x3FDB];
	_ =	sdelay $0x1  }
0x9a: {  	s5 =	simm.s32 $_scs_section_size  }
0x9b: {  	s6 =	simm.s32 $_size__tile_overlayer_lowered;
	s7 =	simm.s32 $_tile_overlayer_lowered  }
0x9c: {  	s22 =	simm.s32 $0x1BFF;
	s21 =	sshll.u32 s7, $0x1;
	s4 =	sadd.s32 s5, s19  }
0x9d: {  	s8 =	simm.s32 $0x0;
	s20 =	sshll.u32 s6, $0x1;
	s6 =	sadd.s32 s21, s4  }
0x9e: {  	[timem:s8], [sflag:s22] =	dma.local [hbm:s6], s20  }
0x9f: {  	_ =	swait.ge [sflag:s22], s20  }
0xa0: {  	s5 =	ssub.s32 $0x0, s20;
	[sflag:s22] =	ssyncset.done $0x0  }
0xa1: {  	[sflag:s22] =	ssyncadd.s32 s5;
	_ =	sdelay $0x1  }
0xa2: {  	s23 =	simm.s32 $0x1B8B  }
0xa3: {  	_ =	swait.ge [sflag:s23], $0x1  }
0xa4: {  	[sflag:s23] =	ssyncset.done $0x0  }
0xa5: {  	s25 =	simm.s32 $0x1B8E;
	s24 =	sld [smem:$0x3FFE];
	[sflag:s23] =	ssyncadd.s32 $0xFFFFFFFF  }
0xa6: {  	s26 =	simm.s32 $execute0_lowered;
	[smem:$0x3FD2] =	sst s25  }
0xa7: {  	s6 =	sshll.u32 s26, $0x1;
	_ =	strace $0x80000049;
	[dreg:$0x1] =	wrdreg $0xFFFFFFFF  }
0xa8: {  	s28 =	simm.s32 $_size_execute0_lowered;
	s4 =	sadd.s32 s4, s6;
	[dreg:$0x0] =	wrdreg $0x0  }
0xa9: {  	s6 =	sshll.u32 s28, $0x1;
	[dreg:$0x2] =	wrdreg s4  }
0xaa: {  	[dreg:$0x3] =	wrdreg s6  }
0xab: {  	[dreg:$0x4] =	wrdreg $0xC0  }
0xac: {  	_ =	task [dreg:s8], $0x5FFFF  }
0xad: {  	[dreg:$0x1] =	wrdreg $0xFFFFFFFF  }
0xae: {  	[dreg:$0x0] =	wrdreg $0x60  }
0xaf: {  	[dreg:$0x2] =	wrdreg s18  }
0xb0: {  	[dreg:$0x3] =	wrdreg s24  }
0xb1: {  	[dreg:$0x4] =	wrdreg s2  }
0xb2: {  	[dreg:$0x5] =	wrdreg $0x0  }
0xb3: {  	[dreg:$0x6] =	wrdreg $0x9  }
0xb4: {  	_ =	task.clear_ibuf [dreg:s8], $0x7FFFF;
	_ =	strace $0x90000049  }
0xb5: {  	s29 =	simm.s32 $0x9;
	_ =	strace $0x8000004B  }
0xb6: {  	_ =	swait.ge [sflag:s29], $0x1  }
0xb7: {  	[sflag:s29] =	ssyncadd.s32 $0xFFFFFFFF  }
0xb8: {  	_ =	strace $0x9000004B  }
0xb9: {  	_ =	sfence  }
0xba: {  	s30 =	sld [smem:$0x0];
	_ =	sdelay $0x2  }
0xbb: {  	s31 =	sshll.u32 s1, $0xD;
	s1 =	sshrl.u32 s1, $0x2  }
0xbc: {  	s3 =	sand.u32 $0x4000, s31;
	s1 =	sadd.s32 s1, s30  }
0xbd: {  	s0 =	sor.u32 s3, s0;
	s1 =	sshll.u32 s1, $0x11  }
0xbe: {  	s0 =	sor.u32 s1, s0  }
0xbf: {  	s0 =	sadd.s32 $0x8F2B, s0  }
0xc0: {  	[sflag:s0] =	ssyncadd.remote.s32 $0x1  }
0xc1: {  	_ =	sfence.sel $0xFFFF  }
0xc2: {  	[dreg:$0x0] =	wrdreg $0xFFFFFFFF;
	(pc) =	sbr.abs _section_cstart, $3  }
0xc3: {  	[dreg:$0x1] =	wrdreg $0xFFFFFFFF  }
0xc4: {  	_ =	task.clear_ibuf [dreg:s8], $0x2FFFF;
	_ =	strace $0x9FFFFFFF  }
0xc5: {  	(tm) =	ssettm $0x7FFFFFFF  }
tec
execute0_lowered:
.L_overlay_start_1:
0x0: {  	(tag) =	ssettag $0x1  }
0x1: {  	s1 =	rddreg [dreg:$0x0]  }
0x2: {  	s6 =	rddreg [dreg:$0x1]  }
0x3: {  	s9 =	rddreg [dreg:$0x2]  }
0x4: {  	s2 =	rddreg [dreg:$0x3]  }
0x5: {  	s0 =	rddreg [dreg:$0x4];
	s3 =	simm.s32 $0x0  }
0x6: {  	s4 =	srdreg.scid;
	s13 =	simm.s32 $0x2;
	s16 =	simm.s32 $0x11080  }
0x7: {  	s17 =	simm.s32 $0x13480;
	s18 =	simm.s32 $0x40;
	s19 =	simm.s32 $0x15880  }
0x8: {  	s20 =	simm.s32 $0x1;
	s21 =	simm.s32 $0x0;
	[smem:$0x7FF] =	sst s3  }
0x9: {  	s8 =	sand.u32 $0x1, s4;
	s5 =	sadd.s32 $0x300E00, s6;
	s4 =	stileid.u32  }
0xa: {  	s6 =	sadd.s32 $0x500E00, s6;
	_ =	strace $0x8000004A;
	s7 =	ssub.s32 $0x2, s8  }
.Ltmp0:
0xb: {  	s8 =	sshll.u32 s8, $0x11;
	s31 =	sshll.u32 s4, $0x9;
	(pc) =	sbr.rel .LBB2_1-.Ltmp0, $4  }
0xc: {  	s12 =	sshll.u32 s4, $0x10;
	s14 =	sshll.u32 s4, $0x6;
	s10 =	sshrl.u32 s7, $0x1  }
0xd: {  	v0 =	vmov s4;
	s9 =	sadd.s32 s9, s31;
	s15 =	sadd.s32 s12, s2;
	s12 =	simm.s32 $0x10080  }
0xe: {  	s14 =	sor.u32 $0x1C02, s14;
	v1 =	vor.u32 $0x2000, v0;
	v0 =	vlaneseq.u32;
	s11 =	ssub.s32 s7, s10;
	s7 =	sshll.u32 s4, $0xC  }
0xf: {  	v3 =	vimm.s32 $0x0;
	s10 =	sshll.u32 s4, $0xD;
	s15 =	sshrl.u32 s15, $0x3;
	v1 =	vbroadcast v1, $0x0;
	v2 =	vmul.u32 $0x2, v0;
	s11 =	smax.u32 s11, $0x1  }
.LBB2_9:
0x10: {  	s21 =	sadd.s32 $0x1, s21  }
0x11: {  	p0 =	sne.s32 s21, s11  }
.Ltmp1:
0x12: {  	_ = 	snop;
	(pc) =	sbr.rel @!p0 .LBB2_10-.Ltmp1, $1  }
0x13: {  	_ =	sdelay $0x3  }
.LBB2_1:
.Ltmp2:
0x14: {  	(pc) =	sbr.rel .LBB2_2-.Ltmp2, $4  }
0x15: {  	[tilespmem:s12], [sflag:$0x2] =	stream.linear.gather [hbm4b:s9+s3], $0x1000, $0x38;
	[tilespmem:$0x17880] =	vst v63  }
0x16: {  	_ =	swait.ge [sflag:s13], $0x1000  }
0x17: {  	[sflag:s13] =	ssyncset.done $0x0  }
0x18: {  	s22 =	simm.s32 $0x0;
	[sflag:s13] =	ssyncadd.s32 $0xFFFFF000  }
.LBB2_7:
0x19: {  	[sflag:s13] =	ssyncadd.s32 $0xFFFFE000  }
.LBB2_8:
0x1a: {  	[bflag:$0x0] =	sbarrier.arrive $0xFFFF;
	s23 =	sadd.s32 s6, s23;
	s22 =	sadd.s32 $0x1, s22  }
0x1b: {  	[hbm:s23], [sflag:s14] =	dma.local [spmem:s15], $0x2000  }
0x1c: {  	p0 =	sne.s32 s22, $0x10  }
.Ltmp3:
0x1d: {  	_ =	swait.ge [sflag:s13], $0x2000;
	(pc) =	sbr.rel @!p0 .LBB2_9-.Ltmp3, $3  }
0x1e: {  	[sflag:s13] =	ssyncset.done $0x0  }
0x1f: {  	[sflag:s13] =	ssyncadd.s32 $0xFFFFE000  }
0x20: {  	[bflag:$0x0] =	sbarrier.arrive $0xFFFF;
	_ =	sdelay $0x1  }
.LBB2_2:
0x21: {  	s23 =	sshll.u32 s22, $0xD  }
0x22: {  	s24 =	sadd.s32 s8, s23  }
0x23: {  	s23 =	sshll.u32 s24, $0x4  }
0x24: {  	s23 =	sor.u32 s10, s23  }
0x25: {  	s25 =	sadd.s32 s1, s23  }
0x26: {  	[spmem:s15], [sflag:s14] =	dma.local [hbm:s25], $0x2000  }
0x27: {  	_ =	swait.ge [sflag:s13], $0x2000  }
0x28: {  	[sflag:s13] =	ssyncset.done $0x0  }
0x29: {  	[sflag:s13] =	ssyncadd.s32 $0xFFFFE000  }
0x2a: {  	s30 =	simm.s32 $0x0;
	[bflag:$0x0] =	sbarrier.arrive $0xFFFF  }
0x2b: {  	v6 =	vld [tilespmem:s30+$0x10080];
	_ =	sdelay $0x3  }
0x2c: {  	s31 =	sadd.s32 $0x2000, s24  }
0x2d: {  	v4 =	vmov s24;
	v5 =	vmov s31;
	v7 =	vshra.s32 v6, $0x1  }
0x2e: {  	vm0 =	vge.s32 v7, v4;
	vm1 =	vlt.s32 v7, v5  }
0x2f: {  	vm0 =	vmand vm0, vm1  }
0x30: {  	v8 =	vsel vm0, $0x1, v3;
	v9 =	vmpcnt.ones.xlane vm0  }
0x31: {  	(xrf0) =	vadd.scan.msk.s32 $0xffff, v8  }
0x32: {  	(v2sf) =	vpush v9, $0x0  }
0x33: {  	s24 =	simm.s32 $0x0  }
0x34: {  	v61 =	vmov s24  }
0x35: {  	v8 =	vadd.s32 $0xFFFFFFFF, v61  }
0x36: {  	v8 =	vbroadcast v8, $0x0  }
0x37: {  	v62, _, _ =	vpop (xrf0)  }
0x38: {  	v8 =	vadd.s32 v62, v8  }
0x39: {  	v9 =	vshll.u32 v8, $0x1  }
0x3a: {  	v8 =	vand.u32 $0x3F, v8;
	v9 =	vand.u32 $0xFFFFFF80, v9  }
0x3b: {  	v8 =	vor.u32 v8, v9  }
0x3c: {  	v63 =	vmov s7  }
0x3d: {  	v9 =	vshll.u32 v63, $0x1  }
0x3e: {  	v6 =	vand.u32 $0x1, v6;
	v9 =	vor.u32 v2, v9  }
0x3f: {  	v6 =	vor.u32 v9, v6  }
0x40: {  	s28 =	simm.s32 $0x80;
	[tilespmem:v8+s16+$0x0] =	vst.idx.msk vm0, v6;
	v6 =	vsub.s32 v7, v4  }
0x41: {  	s29 =	simm.s32 $0x10;
	s25 =	smov.u32 s7;
	[tilespmem:v8+s17+$0x0] =	vst.idx.msk vm0, v6;
	s26 =	spop (v2sf)  }
.LBB2_3:
0x42: {  	s24 =	sadd.s32 s24, s26  }
0x43: {  	v6 =	vld [tilespmem:s29+$0x10080];
	s25 =	sadd.s32 $0x10, s25;
	s26 =	smov.u32 s28;
	s30 =	sadd.s32 $0x40, s28  }
0x44: {  	p0 =	sne.s32 s28, $0x3FC0;
	v7 =	vmov s24  }
0x45: {  	v7 =	vadd.s32 $0xFFFFFFFF, v7;
	_ =	sdelay $0x2  }
0x46: {  	v8 =	vshra.s32 v6, $0x1;
	v6 =	vand.u32 $0x1, v6  }
0x47: {  	vm0 =	vge.s32 v8, v4;
	vm1 =	vlt.s32 v8, v5  }
0x48: {  	vm0 =	vmand vm0, vm1  }
0x49: {  	v9 =	vsel vm0, $0x1, v3;
	v10 =	vmpcnt.ones.xlane vm0  }
0x4a: {  	(xrf0) =	vadd.scan.msk.s32 $0xffff, v9  }
0x4b: {  	(v2sf) =	vpush v10, $0x0;
	_ =	sdelay $0x3  }
0x4c: {  	v7 =	vbroadcast v7, $0x0  }
0x4d: {  	v9, _, _ =	vpop (xrf0)  }
0x4e: {  	v7 =	vadd.s32 v9, v7  }
0x4f: {  	v9 =	vshll.u32 v7, $0x1  }
0x50: {  	v7 =	vand.u32 $0x3F, v7;
	v9 =	vand.u32 $0xFFFFFF80, v9  }
0x51: {  	v7 =	vor.u32 v7, v9  }
0x52: {  	v9 =	vmov s25  }
.Ltmp4:
0x53: {  	v9 =	vshll.u32 v9, $0x1;
	(pc) =	sbr.rel @p0 .LBB2_3-.Ltmp4, $4  }
0x54: {  	v9 =	vor.u32 v2, v9  }
0x55: {  	v6 =	vor.u32 v9, v6  }
0x56: {  	[tilespmem:v7+s16+$0x0] =	vst.idx.msk vm0, v6;
	v6 =	vsub.s32 v8, v4  }
0x57: {  	s29 =	sshra.s32 s26, $0x2;
	s28 =	smov.u32 s30;
	[tilespmem:v7+s17+$0x0] =	vst.idx.msk vm0, v6;
	s26 =	spop (v2sf)  }
0x58: {  	v6 =	vld [tilespmem:s29+$0x10080];
	_ =	sdelay $0x4  }
0x59: {  	v7 =	vshra.s32 v6, $0x1  }
0x5a: {  	vm0 =	vge.s32 v7, v4;
	vm1 =	vlt.s32 v7, v5  }
0x5b: {  	vm0 =	vmand vm0, vm1  }
0x5c: {  	v5 =	vmpcnt.ones.xlane vm0;
	_ =	sdelay $0x1  }
0x5d: {  	(v2sf) =	vpush v5, $0x0;
	_ =	sdelay $0x6  }
0x5e: {  	v5 =	vsel vm0, $0x1, v3  }
0x5f: {  	(xrf0) =	vadd.scan.msk.s32 $0xffff, v5;
	_ =	sdelay $0x1  }
0x60: {  	s24 =	sadd.s32 s24, s26  }
0x61: {  	v5 =	vmov s24  }
0x62: {  	v5 =	vadd.s32 $0xFFFFFFFF, v5  }
0x63: {  	s25 =	sadd.s32 $0x10, s25;
	v5 =	vbroadcast v5, $0x0  }
0x64: {  	v9 =	vmov s25;
	v8, _, _ =	vpop (xrf0)  }
0x65: {  	v9 =	vshll.u32 v9, $0x1;
	v5 =	vadd.s32 v8, v5;
	s29 =	spop (v2sf)  }
0x66: {  	v53 =	vor.u32 v2, v9;
	v8 =	vshll.u32 v5, $0x1;
	s26 =	sadd.s32 s24, s29  }
0x67: {  	v5 =	vand.u32 $0x3F, v5;
	v8 =	vand.u32 $0xFFFFFF80, v8;
	v10 =	vadd.s32 s26, v0  }
0x68: {  	v6 =	vand.u32 $0x1, v6;
	v5 =	vor.u32 v5, v8;
	s24 =	sadd.s32 $0x10, s26;
	v54 =	vshll.u32 v10, $0x1  }
0x69: {  	v10 =	vand.u32 $0x3F, v10;
	v11 =	vadd.s32 s24, v0;
	v9 =	vand.u32 $0xFFFFFF80, v54  }
0x6a: {  	v6 =	vor.u32 v53, v6;
	s30 =	sadd.s32 $0x20, s26;
	v56 =	vshll.u32 v11, $0x1;
	v55 =	vor.u32 v10, v9  }
0x6b: {  	v58 =	vadd.s32 s30, v0;
	v57 =	vand.u32 $0x3F, v11;
	v9 =	vand.u32 $0xFFFFFF80, v56  }
0x6c: {  	v4 =	vsub.s32 v7, v4;
	s31 =	sadd.s32 $0x30, s26;
	v60 =	vshll.u32 v58, $0x1;
	v59 =	vor.u32 v57, v9  }
0x6d: {  	[tilespmem:v5+s16+$0x0] =	vst.idx.msk vm0, v6;
	v62 =	vadd.s32 s31, v0;
	v61 =	vand.u32 $0x3F, v58;
	v9 =	vand.u32 $0xFFFFFF80, v60  }
0x6e: {  	[tilespmem:v5+s17+$0x0] =	vst.idx.msk vm0, v4;
	s24 =	simm.s32 $0x11080;
	v5 =	vshll.u32 v62, $0x1;
	v4 =	vor.u32 v61, v9  }
0x6f: {  	s25 =	simm.s32 $0x13480;
	s26 =	sadd.s32 $0x3F, s26;
	v63 =	vand.u32 $0x3F, v62;
	v5 =	vand.u32 $0xFFFFFF80, v5;
	[tilespmem:v55+s24+$0x0] =	vst.idx.msk $0xffff, v3  }
0x70: {  	s26 =	sshra.s32 s26, $0x6;
	v5 =	vor.u32 v63, v5;
	[tilespmem:v55+s25+$0x0] =	vst.idx.msk $0xffff, v1  }
0x71: {  	p0 =	slt.s32 s26, $0x1;
	[tilespmem:v59+s24+$0x0] =	vst.idx.msk $0xffff, v3  }
.Ltmp5:
0x72: {  	[tilespmem:v59+s25+$0x0] =	vst.idx.msk $0xffff, v1;
	(pc) =	sbr.rel @p0 .LBB2_8-.Ltmp5, $4  }
0x73: {  	[tilespmem:v4+s24+$0x0] =	vst.idx.msk $0xffff, v3  }
0x74: {  	[tilespmem:v4+s25+$0x0] =	vst.idx.msk $0xffff, v1  }
0x75: {  	[tilespmem:v5+s24+$0x0] =	vst.idx.msk $0xffff, v3  }
0x76: {  	[tilespmem:v5+s25+$0x0] =	vst.idx.msk $0xffff, v1  }
0x77: {  	[tilespmem:s19], [sflag:$0x1] =	stream.indirect.gather [hbm4b:s5+s18], $0x80, s24, s18, $0xb8;
	[tilespmem:$0x17880] =	vst v63  }
0x78: {  	p0 =	sne.s32 s26, $0x1;
	_ =	swait.ge [sflag:s20], $0x2000  }
.Ltmp6:
0x79: {  	[sflag:s20] =	ssyncset.done $0x0;
	(pc) =	sbr.rel @!p0 .LBB2_7-.Ltmp6, $4  }
0x7a: {  	[sflag:s20] =	ssyncadd.s32 $0xFFFFE000  }
0x7b: {  	[spmem:s2] =	stream.indirect.scatter.add.f32 [tilespmem:s19], [sflag:$0x2], $0x80, s25, s18, $0xb8;
	[tilespmem:$0x17880] =	vst v63  }
0x7c: {  	_ =	swait.ge [sflag:s13], $0x2000  }
0x7d: {  	s26 =	sadd.s32 $0xFFFFFFFF, s26;
	[sflag:s13] =	ssyncset.done $0x0  }
.LBB2_6:
0x7e: {  	[sflag:s13] =	ssyncadd.s32 $0xFFFFE000;
	s24 =	sadd.s32 $0x80, s24;
	s25 =	sadd.s32 $0x80, s25  }
0x7f: {  	[tilespmem:s19], [sflag:$0x1] =	stream.indirect.gather [hbm4b:s5+s18], $0x80, s24, s18, $0xb8;
	[tilespmem:$0x17880] =	vst v63  }
0x80: {  	p0 =	sne.s32 s26, $0x1;
	s26 =	sadd.s32 $0xFFFFFFFF, s26;
	_ =	swait.ge [sflag:s20], $0x2000  }
.Ltmp7:
0x81: {  	[sflag:s20] =	ssyncset.done $0x0;
	(pc) =	sbr.rel @p0 .LBB2_6-.Ltmp7, $4  }
0x82: {  	[sflag:s20] =	ssyncadd.s32 $0xFFFFE000  }
0x83: {  	[spmem:s2] =	stream.indirect.scatter.add.f32 [tilespmem:s19], [sflag:$0x2], $0x80, s25, s18, $0xb8;
	[tilespmem:$0x17880] =	vst v63  }
0x84: {  	_ =	swait.ge [sflag:s13], $0x2000  }
0x85: {  	[sflag:s13] =	ssyncset.done $0x0  }
.Ltmp8:
0x86: {  	_ = 	snop;
	(pc) =	sbr.rel .LBB2_7-.Ltmp8, $1  }
0x87: {  	_ =	sdelay $0x3  }
.LBB2_10:
0x88: {  	_ =	sfence.sel $0x180000  }
0x89: {  	[bflag:$0x0] =	sbarrier.arrive $0xFFFF  }
0x8a: {  	p0 =	sne.s32 s4, $0x0;
	_ =	strace $0x9000004A  }
0x8b: {  	s0 =	sadd.s32 @!p0 $0x100000, s0;
	[bflag:$0x2] =	sbarrier.arrive $0xFFFF  }
0x8c: {  	[sflag:s0] =	ssyncadd.tile.s32 @!p0 $0x1;
	_ =	shalt  }
.Lfunc_end2:
_tile_overlayer_lowered:
.L_overlay_start_2:
0x8d: {  	(tag) =	ssettag $0x2  }
0x8e: {  	s0 =	rddreg [dreg:$0x0];
	s2 =	stileid.u32  }
0x8f: {  	s1 =	rddreg [dreg:$0x1];
	p0 =	sne.s32 s2, $0x0  }
0x90: {  	s3 =	rddreg [dreg:$0x2];
	[bflag:$0x3] =	sbarrier.arrive $0xFFFF;
	s2 =	simm.s32 @!p0 $0x1C02  }
0x91: {  	[timem:s3], [sflag:s2] =	dma.local @!p0 [hbm:s0], s1  }
0x92: {  	s0 =	simm.s32 @!p0 $0x2  }
0x93: {  	_ =	swait.ge @!p0 [sflag:s0], s1  }
0x94: {  	s1 =	ssub.s32 @!p0 $0x0, s1;
	[sflag:s0] =	ssyncset.done @!p0 $0x0  }
0x95: {  	[sflag:s0] =	ssyncadd.s32 @!p0 s1  }
0x96: {  	[bflag:$0x3] =	sbarrier.arrive $0xFFFF  }
0x97: {  	_ =	shalt  }

// kernel: sparse-core-data-format-call.1.cloned.1.call-start
scs
called_computation.1_lowered:
.L_overlay_start_0:
0x0: {  	s1 =	sld [smem:$0x3FD9]  }
0x1: {  	s2 =	sld [smem:$0x3FFE];
	_ =	sdelay $0x1  }
0x2: {  	s3 =	srdreg.scid  }
0x3: {  	s0 =	sand.u32 $0x1, s3  }
0x4: {  	s17 =	sshll.u32 s0, $0xA;
	s1 =	sadd.s32 s2, s1  }
0x5: {  	s1 =	sadd.s32 s1, s17  }
0x6: {  	[smem:$0x3FC5] =	sst s1  }
0x7: {  	_ = 	snop  }
0x8: {  	(tm) =	ssettm $0x1  }
0x9: {  	s18 =	sld [smem:$0x3FFB];
	_ =	sdelay $0x3  }
0xa: {  	_ =	strace s18  }
0xb: {  	s1 =	sld [smem:$0x3FFC];
	_ =	sdelay $0x3  }
0xc: {  	_ =	strace s1  }
0xd: {  	s1 =	sld [smem:$0x3FFD];
	_ =	sdelay $0x3  }
0xe: {  	_ =	strace s1  }
0xf: {  	_ =	strace $0x8FFFFFFF  }
0x10: {  	s19 =	sld [smem:$0x3FDB];
	_ =	sdelay $0x1  }
0x11: {  	s20 =	simm.s32 $_scs_section_size  }
0x12: {  	s4 =	simm.s32 $_size__tile_overlayer_lowered;
	s5 =	simm.s32 $_tile_overlayer_lowered  }
0x13: {  	s23 =	simm.s32 $0x1BFF;
	s22 =	sshll.u32 s5, $0x1;
	s1 =	sadd.s32 s20, s19  }
0x14: {  	s6 =	simm.s32 $0x0;
	s21 =	sshll.u32 s4, $0x1;
	s4 =	sadd.s32 s22, s1  }
0x15: {  	[timem:s6], [sflag:s23] =	dma.local [hbm:s4], s21  }
0x16: {  	_ =	swait.ge [sflag:s23], s21  }
0x17: {  	s2 =	ssub.s32 $0x0, s21;
	[sflag:s23] =	ssyncset.done $0x0  }
0x18: {  	[sflag:s23] =	ssyncadd.s32 s2;
	_ =	sdelay $0x1  }
0x19: {  	s24 =	simm.s32 $0x1B8B  }
0x1a: {  	_ =	swait.ge [sflag:s24], $0x1  }
0x1b: {  	[sflag:s24] =	ssyncset.done $0x0  }
0x1c: {  	s26 =	simm.s32 $0x1B8E;
	s25 =	sld [smem:$0x3FFE];
	[sflag:s24] =	ssyncadd.s32 $0xFFFFFFFF  }
0x1d: {  	s27 =	simm.s32 $execute0_lowered;
	[smem:$0x3FD2] =	sst s26  }
0x1e: {  	s4 =	sshll.u32 s27, $0x1;
	_ =	strace $0x80000046;
	[dreg:$0x1] =	wrdreg $0xFFFFFFFF  }
0x1f: {  	s28 =	simm.s32 $_size_execute0_lowered;
	s1 =	sadd.s32 s1, s4;
	[dreg:$0x0] =	wrdreg $0x0  }
0x20: {  	s4 =	sshll.u32 s28, $0x1;
	[dreg:$0x2] =	wrdreg s1  }
0x21: {  	[dreg:$0x3] =	wrdreg s4  }
0x22: {  	[dreg:$0x4] =	wrdreg $0xC0  }
0x23: {  	_ =	task [dreg:s6], $0x5FFFF  }
0x24: {  	[dreg:$0x1] =	wrdreg $0xFFFFFFFF  }
0x25: {  	[dreg:$0x0] =	wrdreg $0x60  }
0x26: {  	[dreg:$0x2] =	wrdreg s25  }
0x27: {  	[dreg:$0x3] =	wrdreg $0x9  }
0x28: {  	_ =	task.clear_ibuf [dreg:s6], $0x4FFFF;
	_ =	strace $0x90000046  }
0x29: {  	s29 =	simm.s32 $0x9;
	_ =	strace $0x80000048  }
0x2a: {  	_ =	swait.ge [sflag:s29], $0x1  }
0x2b: {  	[sflag:s29] =	ssyncadd.s32 $0xFFFFFFFF  }
0x2c: {  	_ =	strace $0x90000048  }
0x2d: {  	_ =	sfence  }
0x2e: {  	s30 =	sld [smem:$0x0];
	_ =	sdelay $0x2  }
0x2f: {  	s31 =	sshll.u32 s3, $0xD;
	s3 =	sshrl.u32 s3, $0x2  }
0x30: {  	s2 =	sand.u32 $0x4000, s31;
	s1 =	sadd.s32 s3, s30  }
0x31: {  	s0 =	sor.u32 s2, s0;
	s1 =	sshll.u32 s1, $0x11  }
0x32: {  	s0 =	sor.u32 s1, s0  }
0x33: {  	s0 =	sadd.s32 $0x8F2B, s0  }
0x34: {  	[sflag:s0] =	ssyncadd.remote.s32 $0x1  }
0x35: {  	_ =	sfence.sel $0xFFFF  }
0x36: {  	[dreg:$0x0] =	wrdreg $0xFFFFFFFF;
	(pc) =	sbr.abs _section_cstart, $3  }
0x37: {  	[dreg:$0x1] =	wrdreg $0xFFFFFFFF  }
0x38: {  	_ =	task.clear_ibuf [dreg:s6], $0x2FFFF;
	_ =	strace $0x9FFFFFFF  }
0x39: {  	(tm) =	ssettm $0x7FFFFFFF  }
tec
execute0_lowered:
.L_overlay_start_1:
0x0: {  	(tag) =	ssettag $0x1  }
0x1: {  	s0 =	stileid.u32  }
0x2: {  	s1 =	srdreg.scid;
	s7 =	rddreg [dreg:$0x0]  }
0x3: {  	s31 =	simm.s32 $0x2;
	s15 =	simm.s32 $0x0;
	s9 =	simm.s32 $0x100  }
0x4: {  	s14 =	simm.s32 $0x0;
	s2 =	sshll.u32 s0, $0x6;
	s1 =	sshll.u32 s1, $0xA  }
0x5: {  	s16 =	simm.s32 $0x0;
	s11 =	simm.s32 $0x0;
	s1 =	sor.u32 s2, s1  }
0x6: {  	s13 =	simm.s32 $0x0;
	s3 =	sand.u32 $0x1, s0;
	s2 =	sand.u32 $0x780, s1  }
0x7: {  	s5 =	ssub.s32 $0x2, s3;
	s1 =	rddreg [dreg:$0x1];
	s4 =	ssub.s32 $0x10000, s2  }
0x8: {  	s8 =	sshrl.u32 s5, $0x1;
	s5 =	sand.u32 $0x1, s5;
	s6 =	sand.u32 $0x780, s4  }
0x9: {  	_ =	strace $0x80000047;
	p0 =	sne.s32 s6, $0x0;
	s6 =	simm.s32 $0x1  }
.Ltmp0:
0xa: {  	s4 =	sshrl.u32 s4, $0xB;
	s6 =	simm.s32 @!p0 $0x0;
	(pc) =	sbr.rel .LBB1_1-.Ltmp0, $4  }
0xb: {  	s8 =	sadd.s32 s5, s8;
	s5 =	simm.s32 $0x1;
	s6 =	sadd.s32 s6, s4  }
0xc: {  	s12 =	smov.u32 s3;
	[sflag:s5] =	ssyncpa.u1 $0x0;
	s6 =	smul.u32 s8, s6  }
0xd: {  	s10 =	smov.u32 s2;
	[sflag:s31] =	ssyncpa.u1 $0x0;
	p0 =	por $0x0, $0x0  }
0xe: {  	s4 =	sadd.s32 $0x100E00, s7;
	s7 =	sadd.s32 $0x300E00, s7;
	s8 =	sadd.s32 $0x1, s6  }
.LBB1_4:
0xf: {  	v5 =	vld [tilespmem:s20+$0xFFFFFFD0];
	[tilespmem:s19+$0x2040 ss:$0x81] =	vst.msk $0xffff, v1  }
0x10: {  	v58 =	vld [tilespmem:s20+$0xFFFFFFE0];
	[tilespmem:s19+$0x2850 ss:$0x81] =	vst.msk $0xffff, v2  }
0x11: {  	s21 =	sshra.s32 s21, $0x2;
	v59 =	vld [tilespmem:s20+$0xFFFFFFF0];
	[tilespmem:s19+$0x3060 ss:$0x81] =	vst.msk $0xffff, v3  }
0x12: {  	v60 =	vld [tilespmem:s20+$0x0];
	[tilespmem:s19+$0x0 ss:$0x81] =	vst.msk $0xffff, v0;
	s18 =	sadd.s32 s21, s18  }
0x13: {  	v61 =	vld [tilespmem:s20+$0x10];
	[tilespmem:s18+$0x3870 ss:$0x81] =	vst.msk $0xffff, v4  }
0x14: {  	v62 =	vld [tilespmem:s20+$0x20];
	[tilespmem:s18+$0x810 ss:$0x81] =	vst.msk $0xffff, v5  }
0x15: {  	v63 =	vld [tilespmem:s20+$0xFFFFFFC0];
	[tilespmem:s18+$0x1020 ss:$0x81] =	vst.msk $0xffff, v58  }
0x16: {  	s16 =	sshll.u32 s16, $0x4;
	[tilespmem:s18+$0x1830 ss:$0x81] =	vst.msk $0xffff, v59  }
0x17: {  	s15 =	sshll.u32 s15, $0x5;
	s16 =	sand.u32 $0x10, s16;
	[tilespmem:s18+$0x2040 ss:$0x81] =	vst.msk $0xffff, v60  }
0x18: {  	s30 =	sshrl.u32 s14, $0x3;
	s31 =	sand.u32 $0x7, s14;
	s16 =	sadd.s32 s7, s16;
	[tilespmem:s18+$0x2850 ss:$0x81] =	vst.msk $0xffff, v61  }
0x19: {  	s19 =	sand.u32 $0xF, s30;
	s14 =	sshll.u32 s31, $0x12;
	s15 =	sadd.s32 s15, s16;
	[tilespmem:s18+$0x3060 ss:$0x81] =	vst.msk $0xffff, v62  }
0x1a: {  	s14 =	sor.u32 $0x80, s14;
	s15 =	sadd.s32 s19, s15;
	[tilespmem:s18+$0x0 ss:$0x81] =	vst.msk $0xffff, v63  }
0x1b: {  	[hbm4b:s15+s14] =	stream.strided.scatter [tilespmem:s17], [sflag:$0x2], $0x4000, s9, s14, $0x20;
	[tilespmem:$0x10100] =	vst v63  }
.LBB1_5:
0x1c: {  	s17 =	sadd.s32 $0x800, s10  }
0x1d: {  	s14 =	sadd.s32 $0x80, s11;
	s18 =	smov.u32 s11;
	p2 =	sgt.s32 s17, $0xFFFF  }
0x1e: {  	s18 =	smov.u32 @p2 s14  }
0x1f: {  	s20 =	smov.u32 s12;
	s14 =	sadd.s32 $0x2, s12;
	p3 =	sgt.s32 s18, $0x7F  }
0x20: {  	s20 =	smov.u32 @p3 s14  }
0x21: {  	s17 =	smov.u32 @p2 s2;
	p2 =	sgt.s32 s20, $0x1  }
0x22: {  	p1 =	slt.u32 s13, $0x2;
	s20 =	smov.u32 @p2 s3;
	p2 =	sne.s32 s13, s8  }
.Ltmp1:
0x23: {  	s19 =	simm.s32 @!p1 $0x2;
	(pc) =	sbr.rel @!p2 .LBB1_6-.Ltmp1, $4  }
0x24: {  	s15 =	smov.u32 s10;
	s16 =	smov.u32 s12;
	_ =	swait.ge @!p1 [sflag:s19], $0x4000  }
0x25: {  	p0 =	por !p0, !p0;
	[sflag:s19] =	ssyncset.done @!p1 $0x0;
	s10 =	smov.u32 s17  }
0x26: {  	s18 =	simm.s32 @p3 $0x0;
	s14 =	smov.u32 s11;
	[sflag:s19] =	ssyncadd.s32 @!p1 $0xFFFFC000  }
0x27: {  	s11 =	smov.u32 s18;
	s13 =	sadd.s32 $0x1, s13;
	s12 =	smov.u32 s20  }
.LBB1_1:
0x28: {  	p1 =	sge.u32 s13, s6;
	s31 =	sadd.s32 $0xFFFFFFFF, s13  }
0x29: {  	s17 =	sxor.u32 @!p1 $0xFFFFFFFF, s13;
	s18 =	sand.u32 @!p1 $0x78, s10;
	s19 =	sshll.u32 @!p1 s11, $0x10  }
0x2a: {  	s20 =	sshll.u32 @!p1 s11, $0x7;
	s21 =	sshll.u32 @!p1 s10, $0x3;
	s17 =	sshll.u32 @!p1 s17, $0xE  }
0x2b: {  	s19 =	sand.u32 @!p1 $0x780000, s19;
	s20 =	sand.u32 @!p1 $0x380, s20;
	s17 =	sand.u32 @!p1 $0x4000, s17  }
0x2c: {  	s19 =	sadd.s32 @!p1 s19, s21;
	s21 =	sand.u32 @!p1 $0xFC00, s21;
	s18 =	sor.u32 @!p1 s20, s18  }
0x2d: {  	s20 =	sshll.u32 @!p1 s12, $0x14;
	s18 =	sor.u32 @!p1 s21, s18;
	s19 =	sshrl.u32 @!p1 s19, $0x3  }
0x2e: {  	s20 =	sadd.s32 @!p1 s4, s20;
	s21 =	sand.u32 @!p1 $0x7, s10;
	s19 =	sand.u32 @!p1 $0xFE000, s19  }
0x2f: {  	s18 =	sshrl.u32 @!p1 s18, $0x3;
	s19 =	sadd.s32 @!p1 s19, s20;
	s20 =	sshll.u32 @!p1 s21, $0x12  }
0x30: {  	s18 =	sadd.s32 @!p1 s18, s19;
	s19 =	sor.u32 @!p1 $0x400, s20;
	s20 =	simm.s32 @!p1 $0x80000  }
0x31: {  	[tilespmem:s17], [sflag:$0x1] =	stream.strided.gather @!p1 [hbm4b:s18+s19], $0x4000, s20, s19, $0x38;
	[tilespmem:$0x10100] =	vst v63  }
0x32: {  	p1 =	sge.u32 s31, s6  }
.Ltmp2:
0x33: {  	_ = 	snop;
	(pc) =	sbr.rel @p1 .LBB1_5-.Ltmp2, $1  }
0x34: {  	_ =	sdelay $0x3  }
0x35: {  	s17 =	simm.s32 $0x1  }
0x36: {  	_ =	swait.ge [sflag:s5], $0x4000;
	s17 =	simm.s32 @!p0 $0x0  }
0x37: {  	[sflag:s5] =	ssyncset.done $0x0;
	s18 =	sshll.u32 s17, $0xE  }
0x38: {  	[sflag:s5] =	ssyncadd.s32 $0xFFFFC000;
	s20 =	sor.u32 $0x40, s18  }
0x39: {  	s17 =	smul.u32 $0x10200, s17;
	v0 =	vld [tilespmem:s20+$0x30]  }
0x3a: {  	v3 =	vld [tilespmem:s20+$0xFFFFFFD0]  }
0x3b: {  	s17 =	sshrl.u32 s17, $0x2;
	v4 =	vld [tilespmem:s20+$0xFFFFFFE0]  }
0x3c: {  	v5 =	vld [tilespmem:s20+$0xFFFFFFF0];
	s18 =	sor.u32 $0x8000, s17  }
0x3d: {  	s31 =	sand.u32 $0x1, s13;
	v1 =	vld [tilespmem:s20+$0x0];
	s19 =	sadd.s32 $0x0, s18  }
0x3e: {  	v2 =	vld [tilespmem:s20+$0x10];
	s17 =	smul.u32 $0x10200, s31;
	[tilespmem:s19+$0x3870 ss:$0x81] =	vst.msk $0xffff, v0  }
0x3f: {  	[tilespmem:s19+$0x810 ss:$0x81] =	vst.msk $0xffff, v3;
	v3 =	vld [tilespmem:s20+$0x20]  }
0x40: {  	s17 =	sshrl.u32 s17, $0x2;
	v0 =	vld [tilespmem:s20+$0xFFFFFFC0];
	[tilespmem:s19+$0x1020 ss:$0x81] =	vst.msk $0xffff, v4;
	s20 =	sadd.s32 $0x80, s20  }
0x41: {  	s21 =	simm.s32 $0x4;
	s22 =	simm.s32 $0x8;
	s17 =	sor.u32 $0x8000, s17;
	[tilespmem:s19+$0x1830 ss:$0x81] =	vst.msk $0xffff, v5;
	v4 =	vld [tilespmem:s20+$0x30]  }
.LBB1_3:
0x42: {  	p1 =	sne.s32 s22, $0x1FC;
	v5 =	vld [tilespmem:s20+$0xFFFFFFD0];
	[tilespmem:s19+$0x2040 ss:$0x81] =	vst.msk $0xffff, v1  }
0x43: {  	v6 =	vld [tilespmem:s20+$0xFFFFFFE0];
	[tilespmem:s19+$0x2850 ss:$0x81] =	vst.msk $0xffff, v2  }
0x44: {  	s23 =	sshra.s32 s21, $0x2;
	s21 =	smov.u32 s22;
	v7 =	vld [tilespmem:s20+$0xFFFFFFF0];
	[tilespmem:s19+$0x3060 ss:$0x81] =	vst.msk $0xffff, v3  }
.Ltmp3:
0x45: {  	v1 =	vld [tilespmem:s20+$0x0];
	[tilespmem:s19+$0x0 ss:$0x81] =	vst.msk $0xffff, v0;
	s19 =	sadd.s32 s23, s18;
	(pc) =	sbr.rel @p1 .LBB1_3-.Ltmp3, $4  }
0x46: {  	v2 =	vld [tilespmem:s20+$0x10];
	[tilespmem:s19+$0x3870 ss:$0x81] =	vst.msk $0xffff, v4  }
0x47: {  	[tilespmem:s19+$0x810 ss:$0x81] =	vst.msk $0xffff, v5;
	v3 =	vld [tilespmem:s20+$0x20]  }
0x48: {  	v0 =	vld [tilespmem:s20+$0xFFFFFFC0];
	[tilespmem:s19+$0x1020 ss:$0x81] =	vst.msk $0xffff, v6;
	s20 =	sadd.s32 $0x80, s20  }
0x49: {  	s22 =	sadd.s32 $0x4, s22;
	v4 =	vld [tilespmem:s20+$0x30];
	[tilespmem:s19+$0x1830 ss:$0x81] =	vst.msk $0xffff, v7  }
.Ltmp4:
0x4a: {  	_ = 	snop;
	(pc) =	sbr.rel .LBB1_4-.Ltmp4, $1  }
0x4b: {  	_ =	sdelay $0x3  }
.LBB1_6:
0x4c: {  	_ =	sfence.sel $0x180000  }
0x4d: {  	s2 =	simm.s32 $0x1;
	[bflag:$0x0] =	sbarrier.arrive $0xFFFF  }
0x4e: {  	s31 =	simm.s32 $0x2;
	[sflag:s2] =	ssyncpa.u1 $0x1  }
0x4f: {  	[sflag:s31] =	ssyncpa.u1 $0x1  }
0x50: {  	p0 =	sne.s32 s0, $0x0;
	_ =	strace $0x90000047  }
0x51: {  	s0 =	sadd.s32 @!p0 $0x100000, s1;
	[bflag:$0x2] =	sbarrier.arrive $0xFFFF  }
0x52: {  	[sflag:s0] =	ssyncadd.tile.s32 @!p0 $0x1;
	_ =	shalt  }
.Lfunc_end1:
_tile_overlayer_lowered:
.L_overlay_start_2:
0x53: {  	(tag) =	ssettag $0x2  }
0x54: {  	s0 =	rddreg [dreg:$0x0];
	s2 =	stileid.u32  }
0x55: {  	s1 =	rddreg [dreg:$0x1];
	p0 =	sne.s32 s2, $0x0  }
0x56: {  	s3 =	rddreg [dreg:$0x2];
	[bflag:$0x3] =	sbarrier.arrive $0xFFFF;
	s2 =	simm.s32 @!p0 $0x1C01  }
0x57: {  	[timem:s3], [sflag:s2] =	dma.local @!p0 [hbm:s0], s1  }
0x58: {  	s0 =	simm.s32 @!p0 $0x1  }
0x59: {  	_ =	swait.ge @!p0 [sflag:s0], s1  }
0x5a: {  	s1 =	ssub.s32 @!p0 $0x0, s1;
	[sflag:s0] =	ssyncset.done @!p0 $0x0  }
0x5b: {  	[sflag:s0] =	ssyncadd.s32 @!p0 s1  }
0x5c: {  	[bflag:$0x3] =	sbarrier.arrive $0xFFFF  }
0x5d: {  	_ =	shalt  }

// kernel: sparse-core-data-format-call.cloned.1.call-start
scs
called_computation_lowered:
.L_overlay_start_0:
0x0: {  	s2 =	sld [smem:$0x3FD9]  }
0x1: {  	s3 =	sld [smem:$0x3FFE];
	_ =	sdelay $0x1  }
0x2: {  	s1 =	srdreg.scid  }
0x3: {  	s0 =	sand.u32 $0x1, s1  }
0x4: {  	s18 =	sshll.u32 s0, $0xA;
	s2 =	sadd.s32 s3, s2  }
0x5: {  	s2 =	sadd.s32 s2, s18  }
0x6: {  	[smem:$0x3FC5] =	sst s2  }
0x7: {  	_ = 	snop  }
0x8: {  	s2 =	sld [smem:$0x3FD0];
	(tm) =	ssettm $0x1  }
0x9: {  	s19 =	sld [smem:$0x3FFB];
	_ =	sdelay $0x3  }
0xa: {  	_ =	strace s19  }
0xb: {  	s3 =	sld [smem:$0x3FFC];
	_ =	sdelay $0x3  }
0xc: {  	_ =	strace s3  }
0xd: {  	s3 =	sld [smem:$0x3FFD];
	_ =	sdelay $0x3  }
0xe: {  	_ =	strace s3  }
0xf: {  	_ =	strace $0x8FFFFFFF  }
0x10: {  	s20 =	sld [smem:$0x3FDB];
	_ =	sdelay $0x1  }
0x11: {  	s4 =	simm.s32 $_scs_section_size  }
0x12: {  	s5 =	simm.s32 $_size__tile_overlayer_lowered;
	s6 =	simm.s32 $_tile_overlayer_lowered  }
0x13: {  	s23 =	simm.s32 $0x1BFF;
	s22 =	sshll.u32 s6, $0x1;
	s3 =	sadd.s32 s4, s20  }
0x14: {  	s7 =	simm.s32 $0x0;
	s21 =	sshll.u32 s5, $0x1;
	s5 =	sadd.s32 s22, s3  }
0x15: {  	[timem:s7], [sflag:s23] =	dma.local [hbm:s5], s21  }
0x16: {  	_ =	swait.ge [sflag:s23], s21  }
0x17: {  	s4 =	ssub.s32 $0x0, s21;
	[sflag:s23] =	ssyncset.done $0x0  }
0x18: {  	[sflag:s23] =	ssyncadd.s32 s4;
	_ =	sdelay $0x1  }
0x19: {  	s24 =	simm.s32 $0x1B8B  }
0x1a: {  	_ =	swait.ge [sflag:s24], $0x1  }
0x1b: {  	[sflag:s24] =	ssyncset.done $0x0  }
0x1c: {  	s26 =	simm.s32 $0x1B8E;
	s25 =	sld [smem:$0x3FFE];
	[sflag:s24] =	ssyncadd.s32 $0xFFFFFFFF  }
0x1d: {  	s27 =	simm.s32 $execute0_lowered;
	[smem:$0x3FD2] =	sst s26  }
0x1e: {  	s5 =	sshll.u32 s27, $0x1;
	_ =	strace $0x8000004C;
	[dreg:$0x1] =	wrdreg $0xFFFFFFFF  }
0x1f: {  	s28 =	simm.s32 $_size_execute0_lowered;
	s3 =	sadd.s32 s3, s5;
	[dreg:$0x0] =	wrdreg $0x0  }
0x20: {  	s5 =	sshll.u32 s28, $0x1;
	[dreg:$0x2] =	wrdreg s3  }
0x21: {  	[dreg:$0x3] =	wrdreg s5  }
0x22: {  	[dreg:$0x4] =	wrdreg $0xC0  }
0x23: {  	_ =	task [dreg:s7], $0x5FFFF  }
0x24: {  	[dreg:$0x1] =	wrdreg $0xFFFFFFFF  }
0x25: {  	[dreg:$0x0] =	wrdreg $0x60  }
0x26: {  	[dreg:$0x2] =	wrdreg s25  }
0x27: {  	[dreg:$0x3] =	wrdreg s2  }
0x28: {  	[dreg:$0x4] =	wrdreg $0x9  }
0x29: {  	_ =	task.clear_ibuf [dreg:s7], $0x5FFFF;
	_ =	strace $0x9000004C  }
0x2a: {  	s29 =	simm.s32 $0x9;
	_ =	strace $0x8000004E  }
0x2b: {  	_ =	swait.ge [sflag:s29], $0x1  }
0x2c: {  	[sflag:s29] =	ssyncadd.s32 $0xFFFFFFFF  }
0x2d: {  	_ =	strace $0x9000004E  }
0x2e: {  	_ =	sfence  }
0x2f: {  	s30 =	sld [smem:$0x0];
	_ =	sdelay $0x2  }
0x30: {  	s31 =	sshll.u32 s1, $0xD;
	s1 =	sshrl.u32 s1, $0x2  }
0x31: {  	s3 =	sand.u32 $0x4000, s31;
	s1 =	sadd.s32 s1, s30  }
0x32: {  	s0 =	sor.u32 s3, s0;
	s1 =	sshll.u32 s1, $0x11  }
0x33: {  	s0 =	sor.u32 s1, s0  }
0x34: {  	s0 =	sadd.s32 $0x8F2B, s0  }
0x35: {  	[sflag:s0] =	ssyncadd.remote.s32 $0x1  }
0x36: {  	_ =	sfence.sel $0xFFFF  }
0x37: {  	[dreg:$0x0] =	wrdreg $0xFFFFFFFF;
	(pc) =	sbr.abs _section_cstart, $3  }
0x38: {  	[dreg:$0x1] =	wrdreg $0xFFFFFFFF  }
0x39: {  	_ =	task.clear_ibuf [dreg:s7], $0x2FFFF;
	_ =	strace $0x9FFFFFFF  }
0x3a: {  	(tm) =	ssettm $0x7FFFFFFF  }
0x3b: {  	_ =	shalt  }
tec
execute0_lowered:
.L_overlay_start_1:
0x0: {  	(tag) =	ssettag $0x1  }
0x1: {  	s0 =	srdreg.scid  }
0x2: {  	s1 =	sshll.u32 s0, $0x4  }
0x3: {  	s4 =	rddreg [dreg:$0x0];
	s0 =	stileid.u32;
	s1 =	sand.u32 $0x10, s1  }
0x4: {  	s2 =	rddreg [dreg:$0x1];
	s7 =	simm.s32 $0x1;
	s1 =	sor.u32 s0, s1  }
0x5: {  	s8 =	simm.s32 $0x2;
	s11 =	simm.s32 $0x0;
	s3 =	sshll.u32 s1, $0x7  }
0x6: {  	s10 =	simm.s32 $0x0;
	s4 =	sadd.s32 $0x900E00, s4;
	s6 =	ssub.s32 $0x80000, s3  }
.Ltmp0:
0x7: {  	s1 =	rddreg [dreg:$0x2];
	s5 =	sand.u32 $0xF80, s6;
	(pc) =	sbr.rel .LBB1_1-.Ltmp0, $4  }
0x8: {  	_ =	strace $0x8000004D;
	s9 =	smov.u32 s3;
	p0 =	sne.s32 s5, $0x0  }
0x9: {  	s6 =	sshrl.u32 s6, $0xC;
	s5 =	simm.s32 $0x1;
	s7 =	simm.s32 @!p0 $0x0  }
0xa: {  	[sflag:s5] =	ssyncpa.u1 $0x0;
	p0 =	por $0x0, $0x0;
	s6 =	sadd.s32 s7, s6  }
0xb: {  	[sflag:s8] =	ssyncpa.u1 $0x0;
	s8 =	simm.s32 $0x400000;
	s7 =	sadd.s32 $0x1, s6  }
.LBB1_4:
0xc: {  	s14 =	sshll.u32 s11, $0x3  }
0xd: {  	s15 =	sand.u32 $0x78, s11;
	s14 =	sand.u32 $0x7FC00, s14  }
0xe: {  	[tilespmem:s13+$0x810 ss:$0x81] =	vst.msk $0xffff, v2;
	s29 =	sand.u32 $0x3F0000, s11;
	s30 =	sand.u32 $0x7, s11;
	s14 =	sor.u32 s15, s14  }
0xf: {  	[tilespmem:s13+$0x1020 ss:$0x81] =	vst.msk $0xffff, v0;
	s11 =	sshll.u32 s30, $0x12;
	s15 =	sadd.s32 s2, s29;
	s14 =	sshrl.u32 s14, $0x3  }
0x10: {  	[tilespmem:s13+$0x0 ss:$0x81] =	vst.msk $0xffff, v1;
	s11 =	sor.u32 $0x400, s11;
	s31 =	sadd.s32 s14, s15  }
0x11: {  	[hbm4b:s31+s11] =	stream.strided.scatter [tilespmem:s12], [sflag:$0x2], $0x2000, s8, s11, $0x20;
	[tilespmem:$0x8080] =	vst v63  }
.LBB1_5:
0x12: {  	s13 =	sadd.s32 $0x1000, s9  }
0x13: {  	p2 =	sgt.s32 s13, $0x7FFFF  }
0x14: {  	s13 =	smov.u32 @p2 s3;
	p2 =	sne.s32 s10, s7  }
.Ltmp1:
0x15: {  	p1 =	slt.u32 s10, $0x2;
	(pc) =	sbr.rel @!p2 .LBB1_6-.Ltmp1, $4  }
0x16: {  	s12 =	simm.s32 @!p1 $0x2  }
0x17: {  	s14 =	sadd.s32 $0x1, s10;
	_ =	swait.ge @!p1 [sflag:s12], $0x2000  }
0x18: {  	s11 =	smov.u32 s9;
	p0 =	por !p0, !p0;
	[sflag:s12] =	ssyncset.done @!p1 $0x0  }
0x19: {  	s10 =	smov.u32 s14;
	s9 =	smov.u32 s13;
	[sflag:s12] =	ssyncadd.s32 @!p1 $0xFFFFE000  }
.LBB1_1:
0x1a: {  	p1 =	sge.u32 s10, s6  }
0x1b: {  	s31 =	sadd.s32 $0xFFFFFFFF, s10;
	s12 =	sxor.u32 @!p1 $0xFFFFFFFF, s10;
	s13 =	sshll.u32 @!p1 s9, $0x4  }
0x1c: {  	s14 =	simm.s32 @!p1 $0x40;
	s12 =	sshll.u32 @!p1 s12, $0xD;
	s13 =	sand.u32 @!p1 $0x7FFFF0, s13  }
0x1d: {  	s15 =	simm.s32 @!p1 $0x80;
	s12 =	sand.u32 @!p1 $0x2000, s12;
	s13 =	sadd.s32 @!p1 s4, s13  }
0x1e: {  	[tilespmem:s12], [sflag:$0x1] =	stream.strided.gather @!p1 [hbm4b:s13+s14], $0x2000, s15, s14, $0x38;
	[tilespmem:$0x8080] =	vst v63  }
0x1f: {  	p1 =	sge.u32 s31, s6  }
.Ltmp2:
0x20: {  	_ = 	snop;
	(pc) =	sbr.rel @p1 .LBB1_5-.Ltmp2, $1  }
0x21: {  	_ =	sdelay $0x3  }
0x22: {  	s12 =	simm.s32 $0x1  }
0x23: {  	_ =	swait.ge [sflag:s5], $0x2000;
	s12 =	simm.s32 @!p0 $0x0  }
0x24: {  	[sflag:s5] =	ssyncset.done $0x0;
	s13 =	sshll.u32 s12, $0xD  }
0x25: {  	[sflag:s5] =	ssyncadd.s32 $0xFFFFE000;
	s16 =	sor.u32 $0x20, s13  }
0x26: {  	s12 =	smul.u32 $0x8100, s12;
	v3 =	vld [tilespmem:s16+$0x10]  }
0x27: {  	s30 =	sand.u32 $0x1, s10;
	v2 =	vld [tilespmem:s16+$0xFFFFFFF0]  }
0x28: {  	s13 =	smul.u32 $0x8100, s30;
	s12 =	sshrl.u32 s12, $0x2;
	v0 =	vld [tilespmem:s16+$0x0]  }
0x29: {  	v1 =	vld [tilespmem:s16+$0xFFFFFFE0];
	s14 =	sor.u32 $0x4000, s12  }
0x2a: {  	s31 =	sshrl.u32 s13, $0x2;
	s13 =	sadd.s32 $0x0, s14  }
0x2b: {  	s15 =	simm.s32 $0x4;
	s16 =	sadd.s32 $0x40, s16;
	s12 =	sor.u32 $0x4000, s31;
	[tilespmem:s13+$0x1830 ss:$0x81] =	vst.msk $0xffff, v3  }
.LBB1_3:
0x2c: {  	v3 =	vld [tilespmem:s16+$0x10];
	p1 =	sne.s32 s15, $0x1FC;
	[tilespmem:s13+$0x810 ss:$0x81] =	vst.msk $0xffff, v2;
	s17 =	smov.u32 s15;
	s15 =	sadd.s32 $0x4, s15  }
.Ltmp3:
0x2d: {  	v2 =	vld [tilespmem:s16+$0xFFFFFFF0];
	[tilespmem:s13+$0x1020 ss:$0x81] =	vst.msk $0xffff, v0;
	(pc) =	sbr.rel @p1 .LBB1_3-.Ltmp3, $4  }
0x2e: {  	v0 =	vld [tilespmem:s16+$0x0];
	[tilespmem:s13+$0x0 ss:$0x81] =	vst.msk $0xffff, v1  }
0x2f: {  	s13 =	sshra.s32 s17, $0x2;
	v1 =	vld [tilespmem:s16+$0xFFFFFFE0]  }
0x30: {  	s13 =	sadd.s32 s13, s14  }
0x31: {  	s16 =	sadd.s32 $0x40, s16;
	[tilespmem:s13+$0x1830 ss:$0x81] =	vst.msk $0xffff, v3  }
.Ltmp4:
0x32: {  	_ = 	snop;
	(pc) =	sbr.rel .LBB1_4-.Ltmp4, $1  }
0x33: {  	_ =	sdelay $0x3  }
.LBB1_6:
0x34: {  	_ =	sfence.sel $0x180000  }
0x35: {  	s2 =	simm.s32 $0x1;
	[bflag:$0x0] =	sbarrier.arrive $0xFFFF  }
0x36: {  	s31 =	simm.s32 $0x2;
	[sflag:s2] =	ssyncpa.u1 $0x1  }
0x37: {  	[sflag:s31] =	ssyncpa.u1 $0x1  }
0x38: {  	p0 =	sne.s32 s0, $0x0;
	_ =	strace $0x9000004D  }
0x39: {  	s0 =	sadd.s32 @!p0 $0x100000, s1;
	[bflag:$0x2] =	sbarrier.arrive $0xFFFF  }
0x3a: {  	[sflag:s0] =	ssyncadd.tile.s32 @!p0 $0x1;
	_ =	shalt  }
.Lfunc_end1:
_tile_overlayer_lowered:
.L_overlay_start_2:
0x3b: {  	(tag) =	ssettag $0x2  }
0x3c: {  	s0 =	rddreg [dreg:$0x0];
	s2 =	stileid.u32  }
0x3d: {  	s1 =	rddreg [dreg:$0x1];
	p0 =	sne.s32 s2, $0x0  }
0x3e: {  	s3 =	rddreg [dreg:$0x2];
	[bflag:$0x3] =	sbarrier.arrive $0xFFFF;
	s2 =	simm.s32 @!p0 $0x1C01  }
0x3f: {  	[timem:s3], [sflag:s2] =	dma.local @!p0 [hbm:s0], s1  }
0x40: {  	s0 =	simm.s32 @!p0 $0x1  }
0x41: {  	_ =	swait.ge @!p0 [sflag:s0], s1  }
0x42: {  	s1 =	ssub.s32 @!p0 $0x0, s1;
	[sflag:s0] =	ssyncset.done @!p0 $0x0  }
0x43: {  	[sflag:s0] =	ssyncadd.s32 @!p0 s1  }
0x44: {  	[bflag:$0x3] =	sbarrier.arrive $0xFFFF  }
0x45: {  	_ =	shalt  }

</sc_bundles>
